<compile_context>
chip_gen: v7x
topology: tpu7x:2x2x1
jax: 0.10.2.dev20260603
libtpu: 0.0.44.dev20260713+nightly
codegen_flags: <defaults>
</compile_context>

<pallas_src>
import functools

import jax
import jax.numpy as jnp
from jax import lax
from jax.experimental import pallas as pl
from jax.experimental.pallas import tpu as pltpu
from jax.experimental.pallas import tpu_sc as plsc

N_NODES = 1000000
N_CLASSES = 16
BATCH = 16384
PAD = 1024
ROUNDS = 5
L = 16
N_TILES = 32
B_OUT = BATCH // N_TILES
B_RES = BATCH // (N_TILES // 2)
OUT_W = 2 + 2 * N_CLASSES
TILE = OUT_W * B_OUT


LBLK = 32768


def _tc_lidx_body(lt_ref, out_ref):
    w = lax.broadcasted_iota(jnp.int32, (1, N_CLASSES), 1).astype(jnp.float32)
    s = jax.lax.dot_general(w, lt_ref[...], (((1,), (0,)), ((), ())),
                            preferred_element_type=jnp.float32)
    out_ref[...] = s[0, :].astype(jnp.int32)


def _label_index(labels_t):
    grid = (N_NODES + LBLK - 1) // LBLK
    return pl.pallas_call(
        _tc_lidx_body,
        grid=(grid,),
        in_specs=[pl.BlockSpec((N_CLASSES, LBLK), lambda i: (0, i))],
        out_specs=pl.BlockSpec((LBLK,), lambda i: (i,)),
        out_shape=jax.ShapeDtypeStruct((N_NODES,), jnp.int32),
    )(labels_t)


def _tc_probt_body(p_ref, out_ref):
    out_ref[...] = p_ref[...].T.reshape(BATCH * N_CLASSES)


def _prob_t(nprob):
    return pl.pallas_call(
        _tc_probt_body,
        out_shape=jax.ShapeDtypeStruct((BATCH * N_CLASSES,), jnp.float32),
    )(nprob)


def _tc_retile_body(xb_ref, out_ref):
    out_ref[...] = xb_ref[...].reshape(OUT_W, B_OUT)


def _retile(xb):
    return pl.pallas_call(
        _tc_retile_body,
        grid=(N_TILES,),
        in_specs=[pl.BlockSpec((TILE,), lambda i: (i,))],
        out_specs=pl.BlockSpec((OUT_W, B_OUT), lambda i: (0, i)),
        out_shape=jax.ShapeDtypeStruct((OUT_W, BATCH), jnp.float32),
    )(xb)


def _sc_body(bvl_hbm, avg_hbm, num_hbm, npt_hbm, nvl_hbm,
             tl_hbm, nid_hbm, xp_hbm,
             nid_res, pos_v, p_v, sel_v, nid_out, w_v, gidx_v,
             bvl_v, avg_v, num_v, nvl_v, tl_v, out_v,
             table, sem, sem2, sem3):
    core = lax.axis_index("c")
    sub = lax.axis_index("s")
    wid = core * 16 + sub
    out_base = wid * B_OUT
    res_base = sub * B_RES

    pltpu.sync_copy(nid_hbm.at[pl.ds(res_base, B_RES)], nid_res)
    pltpu.sync_copy(nid_hbm.at[pl.ds(out_base, B_OUT)], nid_out)

    c_bvl = pltpu.async_copy(bvl_hbm.at[nid_out], bvl_v, sem)
    c_avg = pltpu.async_copy(avg_hbm.at[nid_out], avg_v, sem)
    c_num = pltpu.async_copy(num_hbm.at[nid_out], num_v, sem)

    iota = lax.iota(jnp.int32, L)

    def build_pos(k, _):
        pos_v[pl.ds(k * L, L)] = iota + (res_base + k * L)
        return 0
    lax.fori_loop(0, B_RES // L, build_pos, 0)

    pltpu.sync_copy(pos_v, table.at[nid_res])
    plsc.subcore_barrier()

    for _ in range(ROUNDS):
        pltpu.sync_copy(table.at[nid_res], p_v)

        def mk_sel(k, _):
            sl = pl.ds(k * L, L)
            pos = pos_v[sl]
            cand = p_v[sl]
            dummy = N_NODES + (pos & (PAD - 1))
            sel_v[sl] = jnp.where(pos > cand, nid_res[sl], dummy)
            return 0
        lax.fori_loop(0, B_RES // L, mk_sel, 0)
        plsc.subcore_barrier()
        pltpu.sync_copy(pos_v, table.at[sel_v])
        plsc.subcore_barrier()

    pltpu.sync_copy(table.at[nid_out], w_v)

    def build_gidx(k, _):
        g = k // N_CLASSES
        c = k % N_CLASSES
        sl = pl.ds(g * L, L)
        gidx_v[pl.ds(c * B_OUT + g * L, L)] = w_v[sl] + c * BATCH
        return 0
    lax.fori_loop(0, (B_OUT // L) * N_CLASSES, build_gidx, 0)
    c_prb = pltpu.async_copy(npt_hbm.at[gidx_v],
                             out_v.at[pl.ds(2 * B_OUT, N_CLASSES * B_OUT)],
                             sem3)

    c_nvl = pltpu.async_copy(nvl_hbm.at[w_v], nvl_v, sem2)
    c_tl = pltpu.async_copy(tl_hbm.at[w_v], tl_v, sem2)

    zeros16 = jnp.zeros((L,), jnp.float32)

    def emit_zeros(k, _):
        out_v[pl.ds((2 + N_CLASSES) * B_OUT + k * L, L)] = zeros16
        return 0
    lax.fori_loop(0, N_CLASSES * B_OUT // L, emit_zeros, 0)

    c_bvl.wait(); c_avg.wait(); c_num.wait()
    c_nvl.wait(); c_tl.wait()

    def emit_scalars(g, _):
        sl = pl.ds(g * L, L)
        x0 = jnp.minimum(nvl_v[sl], bvl_v[sl])
        num = num_v[sl]
        x1 = (avg_v[sl] * num + tl_v[sl]) / (num + 1.0)
        out_v[pl.ds(g * L, L)] = x0
        out_v[pl.ds(B_OUT + g * L, L)] = x1
        return 0
    lax.fori_loop(0, B_OUT // L, emit_scalars, 0)

    c_prb.wait()
    pltpu.sync_copy(out_v, xp_hbm.at[pl.ds(wid * TILE, TILE)])


def _sc_lab_body(xp_hbm, lidx_hbm, nid_hbm, out_hbm,
                 nid_out, li_v, out_v, sem):
    core = lax.axis_index("c")
    sub = lax.axis_index("s")
    wid = core * 16 + sub
    out_base = wid * B_OUT

    c_xp = pltpu.async_copy(xp_hbm.at[pl.ds(wid * TILE, TILE)], out_v, sem)
    pltpu.sync_copy(nid_hbm.at[pl.ds(out_base, B_OUT)], nid_out)
    pltpu.sync_copy(lidx_hbm.at[nid_out], li_v)
    c_xp.wait()

    iota = lax.iota(jnp.int32, L)
    ones16 = jnp.ones((L,), jnp.float32)

    def emit(g, _):
        sl = pl.ds(g * L, L)
        plsc.store_scatter(
            out_v, [(2 + N_CLASSES + li_v[sl]) * B_OUT + g * L + iota], ones16)
        return 0
    lax.fori_loop(0, B_OUT // L, emit, 0)

    pltpu.sync_copy(out_v, out_hbm.at[pl.ds(wid * TILE, TILE)])


@jax.jit
def _run(bvl, avg, num, labels_t, nprob, nvl, tl, nid):
    npt = _prob_t(nprob)
    lidx = _label_index(labels_t)
    mesh = plsc.VectorSubcoreMesh(core_axis_name="c", subcore_axis_name="s")
    cp = pltpu.CompilerParams(needs_layout_passes=False,
                              use_tc_tiling_on_sc=False)
    f = pl.kernel(
        _sc_body,
        out_type=jax.ShapeDtypeStruct((BATCH * OUT_W,), jnp.float32),
        mesh=mesh,
        compiler_params=cp,
        scratch_types=[
            pltpu.VMEM((B_RES,), jnp.int32),
            pltpu.VMEM((B_RES,), jnp.int32),
            pltpu.VMEM((B_RES,), jnp.int32),
            pltpu.VMEM((B_RES,), jnp.int32),
            pltpu.VMEM((B_OUT,), jnp.int32),
            pltpu.VMEM((B_OUT,), jnp.int32),
            pltpu.VMEM((B_OUT * N_CLASSES,), jnp.int32),
            pltpu.VMEM((B_OUT,), jnp.float32),
            pltpu.VMEM((B_OUT,), jnp.float32),
            pltpu.VMEM((B_OUT,), jnp.float32),
            pltpu.VMEM((B_OUT,), jnp.float32),
            pltpu.VMEM((B_OUT,), jnp.float32),
            pltpu.VMEM((TILE,), jnp.float32),
            pltpu.VMEM_SHARED((N_NODES + PAD,), jnp.int32),
            pltpu.SemaphoreType.DMA,
            pltpu.SemaphoreType.DMA,
            pltpu.SemaphoreType.DMA,
        ],
    )
    xpart = f(bvl, avg, num, npt, nvl, tl, nid)
    g = pl.kernel(
        _sc_lab_body,
        out_type=jax.ShapeDtypeStruct((BATCH * OUT_W,), jnp.float32),
        mesh=mesh,
        compiler_params=cp,
        scratch_types=[
            pltpu.VMEM((B_OUT,), jnp.int32),
            pltpu.VMEM((B_OUT,), jnp.int32),
            pltpu.VMEM((TILE,), jnp.float32),
            pltpu.SemaphoreType.DMA,
        ],
    )
    xb = g(xpart, lidx, nid)
    return _retile(xb).T


def kernel(prob_each_class, best_valid_loss, avg_train_loss, num_train_loss,
           labels, new_prob_each_class, new_valid_loss, train_loss, n_id):
    del prob_each_class
    nprob = jnp.squeeze(new_prob_each_class).astype(jnp.float32)
    return _run(best_valid_loss.astype(jnp.float32),
                avg_train_loss.astype(jnp.float32),
                num_train_loss.astype(jnp.float32),
                labels.astype(jnp.float32).T, nprob,
                new_valid_loss.astype(jnp.float32),
                train_loss.astype(jnp.float32),
                n_id.astype(jnp.int32))

# --- scband reference (transcript-rebuilt; emitter-appended) ---
"""Pipeline reference for scband-buffer-85933705658672 (READ-ONLY COPY).

The authoritative reference and input builder live on the scoring server;
editing this copy changes nothing except your own understanding.
"""

import jax, jax.numpy as jnp
import numpy as np

NUM_NODES = 1000000
NUM_CLASSES = 16
BATCH = 16384


def setup_inputs(seed: int = 0) -> dict:
    key = jax.random.key(seed)
    k1, k2, k3, k4, k5 = jax.random.split(key, 5)
    n_id = jax.random.randint(k1, (BATCH,), 0, NUM_NODES)
    new_prob_each_class = jax.random.uniform(k2, (BATCH, NUM_CLASSES), dtype=jnp.float32)
    new_valid_loss = jax.random.uniform(k3, (BATCH,), dtype=jnp.float32)
    train_loss = jax.random.uniform(k4, (BATCH,), dtype=jnp.float32)
    # Buffers registered in __init__ (labels = y, one-hot class labels)
    label_idx = jax.random.randint(k5, (NUM_NODES,), 0, NUM_CLASSES)
    labels = jax.nn.one_hot(label_idx, NUM_CLASSES, dtype=jnp.float32)
    prob_each_class = jnp.ones((NUM_NODES, NUM_CLASSES), dtype=jnp.float32) / NUM_CLASSES
    best_valid_loss = 2.0 * jnp.ones((NUM_NODES,), dtype=jnp.float32)
    avg_train_loss = jnp.zeros((NUM_NODES,), dtype=jnp.float32)
    num_train_loss = jnp.zeros((NUM_NODES,), dtype=jnp.float32)
    return {
        'prob_each_class': prob_each_class,
        'best_valid_loss': best_valid_loss,
        'avg_train_loss': avg_train_loss,
        'num_train_loss': num_train_loss,
        'labels': labels,
        'new_prob_each_class': new_prob_each_class,
        'new_valid_loss': new_valid_loss,
        'train_loss': train_loss,
        'n_id': n_id,
    }


def reference(prob_each_class, best_valid_loss, avg_train_loss, num_train_loss, labels,
              new_prob_each_class, new_valid_loss, train_loss, n_id):
    # update_prob_each_class: prob_each_class[n_id] = new_prob_each_class.squeeze()
    prob = prob_each_class.at[n_id].set(jnp.squeeze(new_prob_each_class))
    # update_best_valid_loss: best_valid_loss[n_id] = min(new_valid_loss, best_valid_loss[n_id])
    bvl = best_valid_loss.at[n_id].set(jnp.minimum(new_valid_loss, best_valid_loss[n_id]))
    # update_avg_train_loss. NOTE: in the torch original, the chained-indexing resets
    # (self.num_train_loss[n_id][index] = 0 and self.avg_train_loss[n_id][index] *= 0)
    # write into advanced-indexing TEMPORARIES, so they never modify the buffers.
    # Replicated faithfully: the resets are no-ops.
    num_g = num_train_loss[n_id]
    avg_g = avg_train_loss[n_id]
    new_avg = (avg_g * num_g + train_loss) / (num_g + 1.0)
    avg = avg_train_loss.at[n_id].set(new_avg)
    num = num_train_loss.at[n_id].set(num_g + 1.0)  # a[idx] += 1 in torch = gather, add, scatter-set
    del num  # state carried but not part of get_x output
    # get_x(n_id)
    valid_loss = bvl[n_id][:, None]
    avg_tl = avg[n_id][:, None]
    prob_g = prob[n_id]
    labels_g = labels[n_id].astype(jnp.float32)
    x = jnp.concatenate([valid_loss, avg_tl, prob_g, labels_g], axis=-1)
    return x

if __name__ == "__main__":
    import jax
    _d = setup_inputs()
    print(jax.jit(kernel)(*tuple(_d.values())))

</pallas_src>

<mosaic_0001>
#map = affine_map<(d0, d1) -> (0)>
module attributes {stable_mosaic.version = 14 : i64} {
  func.func @_sc_body(%arg0: i32, %arg1: i32, %arg2: memref<1000000xf32, #tpu.memory_space<hbm>>, %arg3: memref<1000000xf32, #tpu.memory_space<hbm>>, %arg4: memref<1000000xf32, #tpu.memory_space<hbm>>, %arg5: memref<262144xf32, #tpu.memory_space<hbm>>, %arg6: memref<16384xf32, #tpu.memory_space<hbm>>, %arg7: memref<16384xf32, #tpu.memory_space<hbm>>, %arg8: memref<16384xi32, #tpu.memory_space<hbm>>, %arg9: memref<557056xf32, #tpu.memory_space<hbm>>, %arg10: memref<1024xi32, #tpu.memory_space<vmem>>, %arg11: memref<1024xi32, #tpu.memory_space<vmem>>, %arg12: memref<1024xi32, #tpu.memory_space<vmem>>, %arg13: memref<1024xi32, #tpu.memory_space<vmem>>, %arg14: memref<512xi32, #tpu.memory_space<vmem>>, %arg15: memref<512xi32, #tpu.memory_space<vmem>>, %arg16: memref<8192xi32, #tpu.memory_space<vmem>>, %arg17: memref<512xf32, #tpu.memory_space<vmem>>, %arg18: memref<512xf32, #tpu.memory_space<vmem>>, %arg19: memref<512xf32, #tpu.memory_space<vmem>>, %arg20: memref<512xf32, #tpu.memory_space<vmem>>, %arg21: memref<512xf32, #tpu.memory_space<vmem>>, %arg22: memref<17408xf32, #tpu.memory_space<vmem>>, %arg23: memref<1001024xi32, #tpu.memory_space<vmem_shared>>, %arg24: memref<!tpu.dma_semaphore, #tpu.memory_space<semaphore_mem>>, %arg25: memref<!tpu.dma_semaphore, #tpu.memory_space<semaphore_mem>>, %arg26: memref<!tpu.dma_semaphore, #tpu.memory_space<semaphore_mem>>) attributes {dimension_semantics = [#tpu.dimension_semantics<core_parallel>, #tpu.dimension_semantics<subcore_parallel>], iteration_bounds = array<i64: 2, 16>, scalar_prefetch = 0 : i64, scratch_operands = 17 : i64, tpu.core_type = #tpu.core_type<sc_vector_subcore>, window_params = [{transform_indices = #map}, {transform_indices = #map}, {transform_indices = #map}, {transform_indices = #map}, {transform_indices = #map}, {transform_indices = #map}, {transform_indices = #map}, {transform_indices = #map}]} {
    %mul3A = arith.constant 16 : i32
    %mul3A_0 = arith.muli %arg0, %mul3A : i32
    %add3A = arith.addi %mul3A_0, %arg1 : i32
    %mul3A_1 = arith.constant 512 : i32
    %mul3A_2 = arith.muli %add3A, %mul3A_1 : i32
    %mul3A_3 = arith.constant 1024 : i32
    %mul3A_4 = arith.muli %arg1, %mul3A_3 : i32
    "tpu.region"() ({
      %run_scoped3A = tpu.sem_alloc : memref<!tpu.dma_semaphore, #tpu.memory_space<semaphore_mem>>
      %dma_start3A_106 = tpu.memref_slice %arg8[%mul3A_4] : memref<16384xi32, #tpu.memory_space<hbm>> -> memref<1024xi32, #tpu.memory_space<hbm>>
      %dma_start3A_107 = tpu.memref_slice %arg8[%mul3A_4] : memref<16384xi32, #tpu.memory_space<hbm>> -> memref<1024xi32, #tpu.memory_space<hbm>>
      tpu.enqueue_dma source(%dma_start3A_107 : memref<1024xi32, #tpu.memory_space<hbm>>) target(%arg10 : memref<1024xi32, #tpu.memory_space<vmem>>) target_semaphore(%run_scoped3A : memref<!tpu.dma_semaphore, #tpu.memory_space<semaphore_mem>>)
      %dma_wait3A_108 = tpu.memref_slice %arg8[%mul3A_4] : memref<16384xi32, #tpu.memory_space<hbm>> -> memref<1024xi32, #tpu.memory_space<hbm>>
      %dma_wait3A_109 = tpu.memref_slice %arg8[%mul3A_4] : memref<16384xi32, #tpu.memory_space<hbm>> -> memref<1024xi32, #tpu.memory_space<hbm>>
      tpu.wait_dma2 semaphore(%run_scoped3A : memref<!tpu.dma_semaphore, #tpu.memory_space<semaphore_mem>>) src(%dma_wait3A_109 : memref<1024xi32, #tpu.memory_space<hbm>>) dst(%arg10 : memref<1024xi32, #tpu.memory_space<vmem>>)
      tpu.yield
    }) : () -> ()
    "tpu.region"() ({
      %run_scoped3A = tpu.sem_alloc : memref<!tpu.dma_semaphore, #tpu.memory_space<semaphore_mem>>
      %dma_start3A_106 = tpu.memref_slice %arg8[%mul3A_2] : memref<16384xi32, #tpu.memory_space<hbm>> -> memref<512xi32, #tpu.memory_space<hbm>>
      %dma_start3A_107 = tpu.memref_slice %arg8[%mul3A_2] : memref<16384xi32, #tpu.memory_space<hbm>> -> memref<512xi32, #tpu.memory_space<hbm>>
      tpu.enqueue_dma source(%dma_start3A_107 : memref<512xi32, #tpu.memory_space<hbm>>) target(%arg14 : memref<512xi32, #tpu.memory_space<vmem>>) target_semaphore(%run_scoped3A : memref<!tpu.dma_semaphore, #tpu.memory_space<semaphore_mem>>)
      %dma_wait3A_108 = tpu.memref_slice %arg8[%mul3A_2] : memref<16384xi32, #tpu.memory_space<hbm>> -> memref<512xi32, #tpu.memory_space<hbm>>
      %dma_wait3A_109 = tpu.memref_slice %arg8[%mul3A_2] : memref<16384xi32, #tpu.memory_space<hbm>> -> memref<512xi32, #tpu.memory_space<hbm>>
      tpu.wait_dma2 semaphore(%run_scoped3A : memref<!tpu.dma_semaphore, #tpu.memory_space<semaphore_mem>>) src(%dma_wait3A_109 : memref<512xi32, #tpu.memory_space<hbm>>) dst(%arg14 : memref<512xi32, #tpu.memory_space<vmem>>)
      tpu.yield
    }) : () -> ()
    %dma_start3A = arith.constant 0 : i32
    %dma_start3A_5 = tpu.memref_slice %arg2[%dma_start3A] : memref<1000000xf32, #tpu.memory_space<hbm>> -> memref<1000000xf32, #tpu.memory_space<hbm>>
    tpu.enqueue_indirect_dma source(%dma_start3A_5 : memref<1000000xf32, #tpu.memory_space<hbm>>) target(%arg17 : memref<512xf32, #tpu.memory_space<vmem>>) offsets(%arg14 : memref<512xi32, #tpu.memory_space<vmem>>) semaphore(%arg24 : memref<!tpu.dma_semaphore, #tpu.memory_space<semaphore_mem>>)
    %dma_start3A_6 = arith.constant 0 : i32
    %dma_start3A_7 = tpu.memref_slice %arg3[%dma_start3A_6] : memref<1000000xf32, #tpu.memory_space<hbm>> -> memref<1000000xf32, #tpu.memory_space<hbm>>
    tpu.enqueue_indirect_dma source(%dma_start3A_7 : memref<1000000xf32, #tpu.memory_space<hbm>>) target(%arg18 : memref<512xf32, #tpu.memory_space<vmem>>) offsets(%arg14 : memref<512xi32, #tpu.memory_space<vmem>>) semaphore(%arg24 : memref<!tpu.dma_semaphore, #tpu.memory_space<semaphore_mem>>)
    %dma_start3A_8 = arith.constant 0 : i32
    %dma_start3A_9 = tpu.memref_slice %arg4[%dma_start3A_8] : memref<1000000xf32, #tpu.memory_space<hbm>> -> memref<1000000xf32, #tpu.memory_space<hbm>>
    tpu.enqueue_indirect_dma source(%dma_start3A_9 : memref<1000000xf32, #tpu.memory_space<hbm>>) target(%arg19 : memref<512xf32, #tpu.memory_space<vmem>>) offsets(%arg14 : memref<512xi32, #tpu.memory_space<vmem>>) semaphore(%arg24 : memref<!tpu.dma_semaphore, #tpu.memory_space<semaphore_mem>>)
    %iota3A = tpu.iota {dimensions = array<i32: 0>} : vector<16xi32>
    %scan3A = arith.constant 0 : i32
    %scan3A_10 = arith.constant 0 : i32
    %scan3A_11 = arith.constant 64 : i32
    %scan3A_12 = arith.addi %scan3A_10, %scan3A_11 : i32
    %scan3A_13 = arith.constant 1 : i32
    %scan3A_14 = scf.for %scan3A_106 = %scan3A_10 to %scan3A_12 step %scan3A_13 iter_args(%scan3A_107 = %scan3A) -> (i32)  : i32 {
      %mul3A_108 = arith.constant 16 : i32
      %mul3A_109 = arith.muli %scan3A_106, %mul3A_108 : i32
      %add3A_110 = arith.addi %mul3A_4, %mul3A_109 : i32
      %add3A_111 = vector.broadcast %add3A_110 : i32 to vector<16xi32>
      %add3A_112 = arith.addi %iota3A, %add3A_111 : vector<16xi32>
      %mul3A_113 = arith.constant 16 : i32
      %mul3A_114 = arith.muli %scan3A_106, %mul3A_113 : i32
      %swap3A = arith.index_cast %mul3A_114 : i32 to index
      %swap3A_115 = tpu.vector_load %arg11[%swap3A] {strides = array<i32>} : memref<1024xi32, #tpu.memory_space<vmem>>, vector<16xi32>,
      tpu.vector_store %arg11[%swap3A], %add3A_112 {strides = array<i32>} : memref<1024xi32, #tpu.memory_space<vmem>>, vector<16xi32>,
      %scan3A_116 = arith.constant 0 : i32
      scf.yield %scan3A_116 : i32
    }
    %scan3A_15 = arith.constant 64 : i32
    "tpu.region"() ({
      %run_scoped3A = tpu.sem_alloc : memref<!tpu.dma_semaphore, #tpu.memory_space<semaphore_mem>>
      %dma_start3A_106 = arith.constant 0 : i32
      %dma_start3A_107 = tpu.memref_slice %arg23[%dma_start3A_106] : memref<1001024xi32, #tpu.memory_space<vmem_shared>> -> memref<1001024xi32, #tpu.memory_space<vmem_shared>>
      tpu.enqueue_indirect_dma source(%arg11 : memref<1024xi32, #tpu.memory_space<vmem>>) target(%dma_start3A_107 : memref<1001024xi32, #tpu.memory_space<vmem_shared>>) offsets(%arg10 : memref<1024xi32, #tpu.memory_space<vmem>>) semaphore(%run_scoped3A : memref<!tpu.dma_semaphore, #tpu.memory_space<semaphore_mem>>)
      %dma_wait3A_108 = arith.constant 0 : i32
      %dma_wait3A_109 = tpu.memref_slice %arg23[%dma_wait3A_108] : memref<1001024xi32, #tpu.memory_space<vmem_shared>> -> memref<1001024xi32, #tpu.memory_space<vmem_shared>>
      tpu.wait_indirect_dma semaphore(%run_scoped3A : memref<!tpu.dma_semaphore, #tpu.memory_space<semaphore_mem>>) src(%arg11 : memref<1024xi32, #tpu.memory_space<vmem>>) dst(%dma_wait3A_109 : memref<1001024xi32, #tpu.memory_space<vmem_shared>>)
      tpu.yield
    }) : () -> ()
    %barrier3A = arith.constant 0 : index
    tpu.barrier barrier_id(%barrier3A)
    "tpu.region"() ({
      %run_scoped3A = tpu.sem_alloc : memref<!tpu.dma_semaphore, #tpu.memory_space<semaphore_mem>>
      %dma_start3A_106 = arith.constant 0 : i32
      %dma_start3A_107 = tpu.memref_slice %arg23[%dma_start3A_106] : memref<1001024xi32, #tpu.memory_space<vmem_shared>> -> memref<1001024xi32, #tpu.memory_space<vmem_shared>>
      tpu.enqueue_indirect_dma source(%dma_start3A_107 : memref<1001024xi32, #tpu.memory_space<vmem_shared>>) target(%arg12 : memref<1024xi32, #tpu.memory_space<vmem>>) offsets(%arg10 : memref<1024xi32, #tpu.memory_space<vmem>>) semaphore(%run_scoped3A : memref<!tpu.dma_semaphore, #tpu.memory_space<semaphore_mem>>)
      %dma_wait3A_108 = arith.constant 0 : i32
      %dma_wait3A_109 = tpu.memref_slice %arg23[%dma_wait3A_108] : memref<1001024xi32, #tpu.memory_space<vmem_shared>> -> memref<1001024xi32, #tpu.memory_space<vmem_shared>>
      tpu.wait_indirect_dma semaphore(%run_scoped3A : memref<!tpu.dma_semaphore, #tpu.memory_space<semaphore_mem>>) src(%dma_wait3A_109 : memref<1001024xi32, #tpu.memory_space<vmem_shared>>) dst(%arg12 : memref<1024xi32, #tpu.memory_space<vmem>>)
      tpu.yield
    }) : () -> ()
    %scan3A_16 = arith.constant 0 : i32
    %scan3A_17 = arith.constant 0 : i32
    %scan3A_18 = arith.constant 64 : i32
    %scan3A_19 = arith.addi %scan3A_17, %scan3A_18 : i32
    %scan3A_20 = arith.constant 1 : i32
    %scan3A_21 = scf.for %scan3A_106 = %scan3A_17 to %scan3A_19 step %scan3A_20 iter_args(%scan3A_107 = %scan3A_16) -> (i32)  : i32 {
      %mul3A_108 = arith.constant 16 : i32
      %mul3A_109 = arith.muli %scan3A_106, %mul3A_108 : i32
      %get3A = arith.index_cast %mul3A_109 : i32 to index
      %get3A_110 = tpu.vector_load %arg11[%get3A] {strides = array<i32>} : memref<1024xi32, #tpu.memory_space<vmem>>, vector<16xi32>,
      %get3A_111 = arith.index_cast %mul3A_109 : i32 to index
      %get3A_112 = tpu.vector_load %arg12[%get3A_111] {strides = array<i32>} : memref<1024xi32, #tpu.memory_space<vmem>>, vector<16xi32>,
      %and3A = arith.constant 1023 : i32
      %and3A_113 = vector.broadcast %and3A : i32 to vector<16xi32>
      %and3A_114 = arith.andi %get3A_110, %and3A_113 : vector<16xi32>
      %add3A_115 = arith.constant 1000000 : i32
      %add3A_116 = vector.broadcast %add3A_115 : i32 to vector<16xi32>
      %add3A_117 = arith.addi %add3A_116, %and3A_114 : vector<16xi32>
      %gt3A = arith.cmpi sgt, %get3A_110, %get3A_112 : vector<16xi32>
      %get3A_118 = arith.index_cast %mul3A_109 : i32 to index
      %get3A_119 = tpu.vector_load %arg10[%get3A_118] {strides = array<i32>} : memref<1024xi32, #tpu.memory_space<vmem>>, vector<16xi32>,
      %select_n3A = arith.select %gt3A, %get3A_119, %add3A_117 : vector<16xi1>, vector<16xi32>
      %swap3A = arith.index_cast %mul3A_109 : i32 to index
      %swap3A_120 = tpu.vector_load %arg13[%swap3A] {strides = array<i32>} : memref<1024xi32, #tpu.memory_space<vmem>>, vector<16xi32>,
      tpu.vector_store %arg13[%swap3A], %select_n3A {strides = array<i32>} : memref<1024xi32, #tpu.memory_space<vmem>>, vector<16xi32>,
      %scan3A_121 = arith.constant 0 : i32
      scf.yield %scan3A_121 : i32
    }
    %scan3A_22 = arith.constant 64 : i32
    %barrier3A_23 = arith.constant 0 : index
    tpu.barrier barrier_id(%barrier3A_23)
    "tpu.region"() ({
      %run_scoped3A = tpu.sem_alloc : memref<!tpu.dma_semaphore, #tpu.memory_space<semaphore_mem>>
      %dma_start3A_106 = arith.constant 0 : i32
      %dma_start3A_107 = tpu.memref_slice %arg23[%dma_start3A_106] : memref<1001024xi32, #tpu.memory_space<vmem_shared>> -> memref<1001024xi32, #tpu.memory_space<vmem_shared>>
      tpu.enqueue_indirect_dma source(%arg11 : memref<1024xi32, #tpu.memory_space<vmem>>) target(%dma_start3A_107 : memref<1001024xi32, #tpu.memory_space<vmem_shared>>) offsets(%arg13 : memref<1024xi32, #tpu.memory_space<vmem>>) semaphore(%run_scoped3A : memref<!tpu.dma_semaphore, #tpu.memory_space<semaphore_mem>>)
      %dma_wait3A_108 = arith.constant 0 : i32
      %dma_wait3A_109 = tpu.memref_slice %arg23[%dma_wait3A_108] : memref<1001024xi32, #tpu.memory_space<vmem_shared>> -> memref<1001024xi32, #tpu.memory_space<vmem_shared>>
      tpu.wait_indirect_dma semaphore(%run_scoped3A : memref<!tpu.dma_semaphore, #tpu.memory_space<semaphore_mem>>) src(%arg11 : memref<1024xi32, #tpu.memory_space<vmem>>) dst(%dma_wait3A_109 : memref<1001024xi32, #tpu.memory_space<vmem_shared>>)
      tpu.yield
    }) : () -> ()
    %barrier3A_24 = arith.constant 0 : index
    tpu.barrier barrier_id(%barrier3A_24)
    "tpu.region"() ({
      %run_scoped3A = tpu.sem_alloc : memref<!tpu.dma_semaphore, #tpu.memory_space<semaphore_mem>>
      %dma_start3A_106 = arith.constant 0 : i32
      %dma_start3A_107 = tpu.memref_slice %arg23[%dma_start3A_106] : memref<1001024xi32, #tpu.memory_space<vmem_shared>> -> memref<1001024xi32, #tpu.memory_space<vmem_shared>>
      tpu.enqueue_indirect_dma source(%dma_start3A_107 : memref<1001024xi32, #tpu.memory_space<vmem_shared>>) target(%arg12 : memref<1024xi32, #tpu.memory_space<vmem>>) offsets(%arg10 : memref<1024xi32, #tpu.memory_space<vmem>>) semaphore(%run_scoped3A : memref<!tpu.dma_semaphore, #tpu.memory_space<semaphore_mem>>)
      %dma_wait3A_108 = arith.constant 0 : i32
      %dma_wait3A_109 = tpu.memref_slice %arg23[%dma_wait3A_108] : memref<1001024xi32, #tpu.memory_space<vmem_shared>> -> memref<1001024xi32, #tpu.memory_space<vmem_shared>>
      tpu.wait_indirect_dma semaphore(%run_scoped3A : memref<!tpu.dma_semaphore, #tpu.memory_space<semaphore_mem>>) src(%dma_wait3A_109 : memref<1001024xi32, #tpu.memory_space<vmem_shared>>) dst(%arg12 : memref<1024xi32, #tpu.memory_space<vmem>>)
      tpu.yield
    }) : () -> ()
    %scan3A_25 = arith.constant 0 : i32
    %scan3A_26 = arith.constant 0 : i32
    %scan3A_27 = arith.constant 64 : i32
    %scan3A_28 = arith.addi %scan3A_26, %scan3A_27 : i32
    %scan3A_29 = arith.constant 1 : i32
    %scan3A_30 = scf.for %scan3A_106 = %scan3A_26 to %scan3A_28 step %scan3A_29 iter_args(%scan3A_107 = %scan3A_25) -> (i32)  : i32 {
      %mul3A_108 = arith.constant 16 : i32
      %mul3A_109 = arith.muli %scan3A_106, %mul3A_108 : i32
      %get3A = arith.index_cast %mul3A_109 : i32 to index
      %get3A_110 = tpu.vector_load %arg11[%get3A] {strides = array<i32>} : memref<1024xi32, #tpu.memory_space<vmem>>, vector<16xi32>,
      %get3A_111 = arith.index_cast %mul3A_109 : i32 to index
      %get3A_112 = tpu.vector_load %arg12[%get3A_111] {strides = array<i32>} : memref<1024xi32, #tpu.memory_space<vmem>>, vector<16xi32>,
      %and3A = arith.constant 1023 : i32
      %and3A_113 = vector.broadcast %and3A : i32 to vector<16xi32>
      %and3A_114 = arith.andi %get3A_110, %and3A_113 : vector<16xi32>
      %add3A_115 = arith.constant 1000000 : i32
      %add3A_116 = vector.broadcast %add3A_115 : i32 to vector<16xi32>
      %add3A_117 = arith.addi %add3A_116, %and3A_114 : vector<16xi32>
      %gt3A = arith.cmpi sgt, %get3A_110, %get3A_112 : vector<16xi32>
      %get3A_118 = arith.index_cast %mul3A_109 : i32 to index
      %get3A_119 = tpu.vector_load %arg10[%get3A_118] {strides = array<i32>} : memref<1024xi32, #tpu.memory_space<vmem>>, vector<16xi32>,
      %select_n3A = arith.select %gt3A, %get3A_119, %add3A_117 : vector<16xi1>, vector<16xi32>
      %swap3A = arith.index_cast %mul3A_109 : i32 to index
      %swap3A_120 = tpu.vector_load %arg13[%swap3A] {strides = array<i32>} : memref<1024xi32, #tpu.memory_space<vmem>>, vector<16xi32>,
      tpu.vector_store %arg13[%swap3A], %select_n3A {strides = array<i32>} : memref<1024xi32, #tpu.memory_space<vmem>>, vector<16xi32>,
      %scan3A_121 = arith.constant 0 : i32
      scf.yield %scan3A_121 : i32
    }
    %scan3A_31 = arith.constant 64 : i32
    %barrier3A_32 = arith.constant 0 : index
    tpu.barrier barrier_id(%barrier3A_32)
    "tpu.region"() ({
      %run_scoped3A = tpu.sem_alloc : memref<!tpu.dma_semaphore, #tpu.memory_space<semaphore_mem>>
      %dma_start3A_106 = arith.constant 0 : i32
      %dma_start3A_107 = tpu.memref_slice %arg23[%dma_start3A_106] : memref<1001024xi32, #tpu.memory_space<vmem_shared>> -> memref<1001024xi32, #tpu.memory_space<vmem_shared>>
      tpu.enqueue_indirect_dma source(%arg11 : memref<1024xi32, #tpu.memory_space<vmem>>) target(%dma_start3A_107 : memref<1001024xi32, #tpu.memory_space<vmem_shared>>) offsets(%arg13 : memref<1024xi32, #tpu.memory_space<vmem>>) semaphore(%run_scoped3A : memref<!tpu.dma_semaphore, #tpu.memory_space<semaphore_mem>>)
      %dma_wait3A_108 = arith.constant 0 : i32
      %dma_wait3A_109 = tpu.memref_slice %arg23[%dma_wait3A_108] : memref<1001024xi32, #tpu.memory_space<vmem_shared>> -> memref<1001024xi32, #tpu.memory_space<vmem_shared>>
      tpu.wait_indirect_dma semaphore(%run_scoped3A : memref<!tpu.dma_semaphore, #tpu.memory_space<semaphore_mem>>) src(%arg11 : memref<1024xi32, #tpu.memory_space<vmem>>) dst(%dma_wait3A_109 : memref<1001024xi32, #tpu.memory_space<vmem_shared>>)
      tpu.yield
    }) : () -> ()
    %barrier3A_33 = arith.constant 0 : index
    tpu.barrier barrier_id(%barrier3A_33)
    "tpu.region"() ({
      %run_scoped3A = tpu.sem_alloc : memref<!tpu.dma_semaphore, #tpu.memory_space<semaphore_mem>>
      %dma_start3A_106 = arith.constant 0 : i32
      %dma_start3A_107 = tpu.memref_slice %arg23[%dma_start3A_106] : memref<1001024xi32, #tpu.memory_space<vmem_shared>> -> memref<1001024xi32, #tpu.memory_space<vmem_shared>>
      tpu.enqueue_indirect_dma source(%dma_start3A_107 : memref<1001024xi32, #tpu.memory_space<vmem_shared>>) target(%arg12 : memref<1024xi32, #tpu.memory_space<vmem>>) offsets(%arg10 : memref<1024xi32, #tpu.memory_space<vmem>>) semaphore(%run_scoped3A : memref<!tpu.dma_semaphore, #tpu.memory_space<semaphore_mem>>)
      %dma_wait3A_108 = arith.constant 0 : i32
      %dma_wait3A_109 = tpu.memref_slice %arg23[%dma_wait3A_108] : memref<1001024xi32, #tpu.memory_space<vmem_shared>> -> memref<1001024xi32, #tpu.memory_space<vmem_shared>>
      tpu.wait_indirect_dma semaphore(%run_scoped3A : memref<!tpu.dma_semaphore, #tpu.memory_space<semaphore_mem>>) src(%dma_wait3A_109 : memref<1001024xi32, #tpu.memory_space<vmem_shared>>) dst(%arg12 : memref<1024xi32, #tpu.memory_space<vmem>>)
      tpu.yield
    }) : () -> ()
    %scan3A_34 = arith.constant 0 : i32
    %scan3A_35 = arith.constant 0 : i32
    %scan3A_36 = arith.constant 64 : i32
    %scan3A_37 = arith.addi %scan3A_35, %scan3A_36 : i32
    %scan3A_38 = arith.constant 1 : i32
    %scan3A_39 = scf.for %scan3A_106 = %scan3A_35 to %scan3A_37 step %scan3A_38 iter_args(%scan3A_107 = %scan3A_34) -> (i32)  : i32 {
      %mul3A_108 = arith.constant 16 : i32
      %mul3A_109 = arith.muli %scan3A_106, %mul3A_108 : i32
      %get3A = arith.index_cast %mul3A_109 : i32 to index
      %get3A_110 = tpu.vector_load %arg11[%get3A] {strides = array<i32>} : memref<1024xi32, #tpu.memory_space<vmem>>, vector<16xi32>,
      %get3A_111 = arith.index_cast %mul3A_109 : i32 to index
      %get3A_112 = tpu.vector_load %arg12[%get3A_111] {strides = array<i32>} : memref<1024xi32, #tpu.memory_space<vmem>>, vector<16xi32>,
      %and3A = arith.constant 1023 : i32
      %and3A_113 = vector.broadcast %and3A : i32 to vector<16xi32>
      %and3A_114 = arith.andi %get3A_110, %and3A_113 : vector<16xi32>
      %add3A_115 = arith.constant 1000000 : i32
      %add3A_116 = vector.broadcast %add3A_115 : i32 to vector<16xi32>
      %add3A_117 = arith.addi %add3A_116, %and3A_114 : vector<16xi32>
      %gt3A = arith.cmpi sgt, %get3A_110, %get3A_112 : vector<16xi32>
      %get3A_118 = arith.index_cast %mul3A_109 : i32 to index
      %get3A_119 = tpu.vector_load %arg10[%get3A_118] {strides = array<i32>} : memref<1024xi32, #tpu.memory_space<vmem>>, vector<16xi32>,
      %select_n3A = arith.select %gt3A, %get3A_119, %add3A_117 : vector<16xi1>, vector<16xi32>
      %swap3A = arith.index_cast %mul3A_109 : i32 to index
      %swap3A_120 = tpu.vector_load %arg13[%swap3A] {strides = array<i32>} : memref<1024xi32, #tpu.memory_space<vmem>>, vector<16xi32>,
      tpu.vector_store %arg13[%swap3A], %select_n3A {strides = array<i32>} : memref<1024xi32, #tpu.memory_space<vmem>>, vector<16xi32>,
      %scan3A_121 = arith.constant 0 : i32
      scf.yield %scan3A_121 : i32
    }
    %scan3A_40 = arith.constant 64 : i32
    %barrier3A_41 = arith.constant 0 : index
    tpu.barrier barrier_id(%barrier3A_41)
    "tpu.region"() ({
      %run_scoped3A = tpu.sem_alloc : memref<!tpu.dma_semaphore, #tpu.memory_space<semaphore_mem>>
      %dma_start3A_106 = arith.constant 0 : i32
      %dma_start3A_107 = tpu.memref_slice %arg23[%dma_start3A_106] : memref<1001024xi32, #tpu.memory_space<vmem_shared>> -> memref<1001024xi32, #tpu.memory_space<vmem_shared>>
      tpu.enqueue_indirect_dma source(%arg11 : memref<1024xi32, #tpu.memory_space<vmem>>) target(%dma_start3A_107 : memref<1001024xi32, #tpu.memory_space<vmem_shared>>) offsets(%arg13 : memref<1024xi32, #tpu.memory_space<vmem>>) semaphore(%run_scoped3A : memref<!tpu.dma_semaphore, #tpu.memory_space<semaphore_mem>>)
      %dma_wait3A_108 = arith.constant 0 : i32
      %dma_wait3A_109 = tpu.memref_slice %arg23[%dma_wait3A_108] : memref<1001024xi32, #tpu.memory_space<vmem_shared>> -> memref<1001024xi32, #tpu.memory_space<vmem_shared>>
      tpu.wait_indirect_dma semaphore(%run_scoped3A : memref<!tpu.dma_semaphore, #tpu.memory_space<semaphore_mem>>) src(%arg11 : memref<1024xi32, #tpu.memory_space<vmem>>) dst(%dma_wait3A_109 : memref<1001024xi32, #tpu.memory_space<vmem_shared>>)
      tpu.yield
    }) : () -> ()
    %barrier3A_42 = arith.constant 0 : index
    tpu.barrier barrier_id(%barrier3A_42)
    "tpu.region"() ({
      %run_scoped3A = tpu.sem_alloc : memref<!tpu.dma_semaphore, #tpu.memory_space<semaphore_mem>>
      %dma_start3A_106 = arith.constant 0 : i32
      %dma_start3A_107 = tpu.memref_slice %arg23[%dma_start3A_106] : memref<1001024xi32, #tpu.memory_space<vmem_shared>> -> memref<1001024xi32, #tpu.memory_space<vmem_shared>>
      tpu.enqueue_indirect_dma source(%dma_start3A_107 : memref<1001024xi32, #tpu.memory_space<vmem_shared>>) target(%arg12 : memref<1024xi32, #tpu.memory_space<vmem>>) offsets(%arg10 : memref<1024xi32, #tpu.memory_space<vmem>>) semaphore(%run_scoped3A : memref<!tpu.dma_semaphore, #tpu.memory_space<semaphore_mem>>)
      %dma_wait3A_108 = arith.constant 0 : i32
      %dma_wait3A_109 = tpu.memref_slice %arg23[%dma_wait3A_108] : memref<1001024xi32, #tpu.memory_space<vmem_shared>> -> memref<1001024xi32, #tpu.memory_space<vmem_shared>>
      tpu.wait_indirect_dma semaphore(%run_scoped3A : memref<!tpu.dma_semaphore, #tpu.memory_space<semaphore_mem>>) src(%dma_wait3A_109 : memref<1001024xi32, #tpu.memory_space<vmem_shared>>) dst(%arg12 : memref<1024xi32, #tpu.memory_space<vmem>>)
      tpu.yield
    }) : () -> ()
    %scan3A_43 = arith.constant 0 : i32
    %scan3A_44 = arith.constant 0 : i32
    %scan3A_45 = arith.constant 64 : i32
    %scan3A_46 = arith.addi %scan3A_44, %scan3A_45 : i32
    %scan3A_47 = arith.constant 1 : i32
    %scan3A_48 = scf.for %scan3A_106 = %scan3A_44 to %scan3A_46 step %scan3A_47 iter_args(%scan3A_107 = %scan3A_43) -> (i32)  : i32 {
      %mul3A_108 = arith.constant 16 : i32
      %mul3A_109 = arith.muli %scan3A_106, %mul3A_108 : i32
      %get3A = arith.index_cast %mul3A_109 : i32 to index
      %get3A_110 = tpu.vector_load %arg11[%get3A] {strides = array<i32>} : memref<1024xi32, #tpu.memory_space<vmem>>, vector<16xi32>,
      %get3A_111 = arith.index_cast %mul3A_109 : i32 to index
      %get3A_112 = tpu.vector_load %arg12[%get3A_111] {strides = array<i32>} : memref<1024xi32, #tpu.memory_space<vmem>>, vector<16xi32>,
      %and3A = arith.constant 1023 : i32
      %and3A_113 = vector.broadcast %and3A : i32 to vector<16xi32>
      %and3A_114 = arith.andi %get3A_110, %and3A_113 : vector<16xi32>
      %add3A_115 = arith.constant 1000000 : i32
      %add3A_116 = vector.broadcast %add3A_115 : i32 to vector<16xi32>
      %add3A_117 = arith.addi %add3A_116, %and3A_114 : vector<16xi32>
      %gt3A = arith.cmpi sgt, %get3A_110, %get3A_112 : vector<16xi32>
      %get3A_118 = arith.index_cast %mul3A_109 : i32 to index
      %get3A_119 = tpu.vector_load %arg10[%get3A_118] {strides = array<i32>} : memref<1024xi32, #tpu.memory_space<vmem>>, vector<16xi32>,
      %select_n3A = arith.select %gt3A, %get3A_119, %add3A_117 : vector<16xi1>, vector<16xi32>
      %swap3A = arith.index_cast %mul3A_109 : i32 to index
      %swap3A_120 = tpu.vector_load %arg13[%swap3A] {strides = array<i32>} : memref<1024xi32, #tpu.memory_space<vmem>>, vector<16xi32>,
      tpu.vector_store %arg13[%swap3A], %select_n3A {strides = array<i32>} : memref<1024xi32, #tpu.memory_space<vmem>>, vector<16xi32>,
      %scan3A_121 = arith.constant 0 : i32
      scf.yield %scan3A_121 : i32
    }
    %scan3A_49 = arith.constant 64 : i32
    %barrier3A_50 = arith.constant 0 : index
    tpu.barrier barrier_id(%barrier3A_50)
    "tpu.region"() ({
      %run_scoped3A = tpu.sem_alloc : memref<!tpu.dma_semaphore, #tpu.memory_space<semaphore_mem>>
      %dma_start3A_106 = arith.constant 0 : i32
      %dma_start3A_107 = tpu.memref_slice %arg23[%dma_start3A_106] : memref<1001024xi32, #tpu.memory_space<vmem_shared>> -> memref<1001024xi32, #tpu.memory_space<vmem_shared>>
      tpu.enqueue_indirect_dma source(%arg11 : memref<1024xi32, #tpu.memory_space<vmem>>) target(%dma_start3A_107 : memref<1001024xi32, #tpu.memory_space<vmem_shared>>) offsets(%arg13 : memref<1024xi32, #tpu.memory_space<vmem>>) semaphore(%run_scoped3A : memref<!tpu.dma_semaphore, #tpu.memory_space<semaphore_mem>>)
      %dma_wait3A_108 = arith.constant 0 : i32
      %dma_wait3A_109 = tpu.memref_slice %arg23[%dma_wait3A_108] : memref<1001024xi32, #tpu.memory_space<vmem_shared>> -> memref<1001024xi32, #tpu.memory_space<vmem_shared>>
      tpu.wait_indirect_dma semaphore(%run_scoped3A : memref<!tpu.dma_semaphore, #tpu.memory_space<semaphore_mem>>) src(%arg11 : memref<1024xi32, #tpu.memory_space<vmem>>) dst(%dma_wait3A_109 : memref<1001024xi32, #tpu.memory_space<vmem_shared>>)
      tpu.yield
    }) : () -> ()
    %barrier3A_51 = arith.constant 0 : index
    tpu.barrier barrier_id(%barrier3A_51)
    "tpu.region"() ({
      %run_scoped3A = tpu.sem_alloc : memref<!tpu.dma_semaphore, #tpu.memory_space<semaphore_mem>>
      %dma_start3A_106 = arith.constant 0 : i32
      %dma_start3A_107 = tpu.memref_slice %arg23[%dma_start3A_106] : memref<1001024xi32, #tpu.memory_space<vmem_shared>> -> memref<1001024xi32, #tpu.memory_space<vmem_shared>>
      tpu.enqueue_indirect_dma source(%dma_start3A_107 : memref<1001024xi32, #tpu.memory_space<vmem_shared>>) target(%arg12 : memref<1024xi32, #tpu.memory_space<vmem>>) offsets(%arg10 : memref<1024xi32, #tpu.memory_space<vmem>>) semaphore(%run_scoped3A : memref<!tpu.dma_semaphore, #tpu.memory_space<semaphore_mem>>)
      %dma_wait3A_108 = arith.constant 0 : i32
      %dma_wait3A_109 = tpu.memref_slice %arg23[%dma_wait3A_108] : memref<1001024xi32, #tpu.memory_space<vmem_shared>> -> memref<1001024xi32, #tpu.memory_space<vmem_shared>>
      tpu.wait_indirect_dma semaphore(%run_scoped3A : memref<!tpu.dma_semaphore, #tpu.memory_space<semaphore_mem>>) src(%dma_wait3A_109 : memref<1001024xi32, #tpu.memory_space<vmem_shared>>) dst(%arg12 : memref<1024xi32, #tpu.memory_space<vmem>>)
      tpu.yield
    }) : () -> ()
    %scan3A_52 = arith.constant 0 : i32
    %scan3A_53 = arith.constant 0 : i32
    %scan3A_54 = arith.constant 64 : i32
    %scan3A_55 = arith.addi %scan3A_53, %scan3A_54 : i32
    %scan3A_56 = arith.constant 1 : i32
    %scan3A_57 = scf.for %scan3A_106 = %scan3A_53 to %scan3A_55 step %scan3A_56 iter_args(%scan3A_107 = %scan3A_52) -> (i32)  : i32 {
      %mul3A_108 = arith.constant 16 : i32
      %mul3A_109 = arith.muli %scan3A_106, %mul3A_108 : i32
      %get3A = arith.index_cast %mul3A_109 : i32 to index
      %get3A_110 = tpu.vector_load %arg11[%get3A] {strides = array<i32>} : memref<1024xi32, #tpu.memory_space<vmem>>, vector<16xi32>,
      %get3A_111 = arith.index_cast %mul3A_109 : i32 to index
      %get3A_112 = tpu.vector_load %arg12[%get3A_111] {strides = array<i32>} : memref<1024xi32, #tpu.memory_space<vmem>>, vector<16xi32>,
      %and3A = arith.constant 1023 : i32
      %and3A_113 = vector.broadcast %and3A : i32 to vector<16xi32>
      %and3A_114 = arith.andi %get3A_110, %and3A_113 : vector<16xi32>
      %add3A_115 = arith.constant 1000000 : i32
      %add3A_116 = vector.broadcast %add3A_115 : i32 to vector<16xi32>
      %add3A_117 = arith.addi %add3A_116, %and3A_114 : vector<16xi32>
      %gt3A = arith.cmpi sgt, %get3A_110, %get3A_112 : vector<16xi32>
      %get3A_118 = arith.index_cast %mul3A_109 : i32 to index
      %get3A_119 = tpu.vector_load %arg10[%get3A_118] {strides = array<i32>} : memref<1024xi32, #tpu.memory_space<vmem>>, vector<16xi32>,
      %select_n3A = arith.select %gt3A, %get3A_119, %add3A_117 : vector<16xi1>, vector<16xi32>
      %swap3A = arith.index_cast %mul3A_109 : i32 to index
      %swap3A_120 = tpu.vector_load %arg13[%swap3A] {strides = array<i32>} : memref<1024xi32, #tpu.memory_space<vmem>>, vector<16xi32>,
      tpu.vector_store %arg13[%swap3A], %select_n3A {strides = array<i32>} : memref<1024xi32, #tpu.memory_space<vmem>>, vector<16xi32>,
      %scan3A_121 = arith.constant 0 : i32
      scf.yield %scan3A_121 : i32
    }
    %scan3A_58 = arith.constant 64 : i32
    %barrier3A_59 = arith.constant 0 : index
    tpu.barrier barrier_id(%barrier3A_59)
    "tpu.region"() ({
      %run_scoped3A = tpu.sem_alloc : memref<!tpu.dma_semaphore, #tpu.memory_space<semaphore_mem>>
      %dma_start3A_106 = arith.constant 0 : i32
      %dma_start3A_107 = tpu.memref_slice %arg23[%dma_start3A_106] : memref<1001024xi32, #tpu.memory_space<vmem_shared>> -> memref<1001024xi32, #tpu.memory_space<vmem_shared>>
      tpu.enqueue_indirect_dma source(%arg11 : memref<1024xi32, #tpu.memory_space<vmem>>) target(%dma_start3A_107 : memref<1001024xi32, #tpu.memory_space<vmem_shared>>) offsets(%arg13 : memref<1024xi32, #tpu.memory_space<vmem>>) semaphore(%run_scoped3A : memref<!tpu.dma_semaphore, #tpu.memory_space<semaphore_mem>>)
      %dma_wait3A_108 = arith.constant 0 : i32
      %dma_wait3A_109 = tpu.memref_slice %arg23[%dma_wait3A_108] : memref<1001024xi32, #tpu.memory_space<vmem_shared>> -> memref<1001024xi32, #tpu.memory_space<vmem_shared>>
      tpu.wait_indirect_dma semaphore(%run_scoped3A : memref<!tpu.dma_semaphore, #tpu.memory_space<semaphore_mem>>) src(%arg11 : memref<1024xi32, #tpu.memory_space<vmem>>) dst(%dma_wait3A_109 : memref<1001024xi32, #tpu.memory_space<vmem_shared>>)
      tpu.yield
    }) : () -> ()
    %barrier3A_60 = arith.constant 0 : index
    tpu.barrier barrier_id(%barrier3A_60)
    "tpu.region"() ({
      %run_scoped3A = tpu.sem_alloc : memref<!tpu.dma_semaphore, #tpu.memory_space<semaphore_mem>>
      %dma_start3A_106 = arith.constant 0 : i32
      %dma_start3A_107 = tpu.memref_slice %arg23[%dma_start3A_106] : memref<1001024xi32, #tpu.memory_space<vmem_shared>> -> memref<1001024xi32, #tpu.memory_space<vmem_shared>>
      tpu.enqueue_indirect_dma source(%dma_start3A_107 : memref<1001024xi32, #tpu.memory_space<vmem_shared>>) target(%arg15 : memref<512xi32, #tpu.memory_space<vmem>>) offsets(%arg14 : memref<512xi32, #tpu.memory_space<vmem>>) semaphore(%run_scoped3A : memref<!tpu.dma_semaphore, #tpu.memory_space<semaphore_mem>>)
      %dma_wait3A_108 = arith.constant 0 : i32
      %dma_wait3A_109 = tpu.memref_slice %arg23[%dma_wait3A_108] : memref<1001024xi32, #tpu.memory_space<vmem_shared>> -> memref<1001024xi32, #tpu.memory_space<vmem_shared>>
      tpu.wait_indirect_dma semaphore(%run_scoped3A : memref<!tpu.dma_semaphore, #tpu.memory_space<semaphore_mem>>) src(%dma_wait3A_109 : memref<1001024xi32, #tpu.memory_space<vmem_shared>>) dst(%arg15 : memref<512xi32, #tpu.memory_space<vmem>>)
      tpu.yield
    }) : () -> ()
    %scan3A_61 = arith.constant 0 : i32
    %scan3A_62 = arith.constant 0 : i32
    %scan3A_63 = arith.constant 512 : i32
    %scan3A_64 = arith.addi %scan3A_62, %scan3A_63 : i32
    %scan3A_65 = arith.constant 1 : i32
    %scan3A_66 = scf.for %scan3A_106 = %scan3A_62 to %scan3A_64 step %scan3A_65 iter_args(%scan3A_107 = %scan3A_61) -> (i32)  : i32 {
      %jit3A = arith.constant 16 : i32
      %div3A = arith.divsi %scan3A_106, %jit3A : i32
      %sign3A = arith.constant 0 : i32
      %sign3A_108 = arith.cmpi sgt, %scan3A_106, %sign3A : i32
      %sign3A_109 = arith.extui %sign3A_108 : i1 to i32
      %sign3A_110 = arith.constant 0 : i32
      %sign3A_111 = arith.cmpi slt, %scan3A_106, %sign3A_110 : i32
      %sign3A_112 = arith.extui %sign3A_111 : i1 to i32
      %sign3A_113 = arith.subi %sign3A_109, %sign3A_112 : i32
      %sign3A_114 = arith.constant 0 : i32
      %sign3A_115 = arith.cmpi sgt, %jit3A, %sign3A_114 : i32
      %sign3A_116 = arith.extui %sign3A_115 : i1 to i32
      %sign3A_117 = arith.constant 0 : i32
      %sign3A_118 = arith.cmpi slt, %jit3A, %sign3A_117 : i32
      %sign3A_119 = arith.extui %sign3A_118 : i1 to i32
      %sign3A_120 = arith.subi %sign3A_116, %sign3A_119 : i32
      %ne3A = arith.cmpi ne, %sign3A_113, %sign3A_120 : i32
      %rem3A = arith.remsi %scan3A_106, %jit3A : i32
      %ne3A_121 = arith.constant 0 : i32
      %ne3A_122 = arith.cmpi ne, %rem3A, %ne3A_121 : i32
      %and3A = arith.andi %ne3A, %ne3A_122 : i1
      %sub3A = arith.constant 1 : i32
      %sub3A_123 = arith.subi %div3A, %sub3A : i32
      %select_n3A = arith.select %and3A, %sub3A_123, %div3A : i32
      %jit3A_124 = arith.constant 16 : i32
      %eq3A = arith.constant 0 : i32
      %eq3A_125 = arith.cmpi eq, %jit3A_124, %eq3A : i32
      %jit3A_126 = arith.constant 1 : i32
      %select_n3A_127 = arith.select %eq3A_125, %jit3A_126, %jit3A_124 : i32
      %rem3A_128 = arith.remsi %scan3A_106, %select_n3A_127 : i32
      %ne3A_129 = arith.constant 0 : i32
      %ne3A_130 = arith.cmpi ne, %rem3A_128, %ne3A_129 : i32
      %lt3A = arith.constant 0 : i32
      %lt3A_131 = arith.cmpi slt, %rem3A_128, %lt3A : i32
      %lt3A_132 = arith.constant 0 : i32
      %lt3A_133 = arith.cmpi slt, %select_n3A_127, %lt3A_132 : i32
      %ne3A_134 = arith.xori %lt3A_131, %lt3A_133 : i1
      %and3A_135 = arith.andi %ne3A_134, %ne3A_130 : i1
      %add3A_136 = arith.addi %rem3A_128, %select_n3A_127 : i32
      %select_n3A_137 = arith.select %and3A_135, %add3A_136, %rem3A_128 : i32
      %mul3A_138 = arith.constant 16 : i32
      %mul3A_139 = arith.muli %select_n3A, %mul3A_138 : i32
      %get3A = arith.index_cast %mul3A_139 : i32 to index
      %get3A_140 = tpu.vector_load %arg15[%get3A] {strides = array<i32>} : memref<512xi32, #tpu.memory_space<vmem>>, vector<16xi32>,
      %mul3A_141 = arith.constant 16384 : i32
      %mul3A_142 = arith.muli %select_n3A_137, %mul3A_141 : i32
      %add3A_143 = vector.broadcast %mul3A_142 : i32 to vector<16xi32>
      %add3A_144 = arith.addi %get3A_140, %add3A_143 : vector<16xi32>
      %mul3A_145 = arith.constant 512 : i32
      %mul3A_146 = arith.muli %select_n3A_137, %mul3A_145 : i32
      %mul3A_147 = arith.constant 16 : i32
      %mul3A_148 = arith.muli %select_n3A, %mul3A_147 : i32
      %add3A_149 = arith.addi %mul3A_146, %mul3A_148 : i32
      %swap3A = arith.index_cast %add3A_149 : i32 to index
      %swap3A_150 = tpu.vector_load %arg16[%swap3A] {strides = array<i32>} : memref<8192xi32, #tpu.memory_space<vmem>>, vector<16xi32>,
      tpu.vector_store %arg16[%swap3A], %add3A_144 {strides = array<i32>} : memref<8192xi32, #tpu.memory_space<vmem>>, vector<16xi32>,
      %scan3A_151 = arith.constant 0 : i32
      scf.yield %scan3A_151 : i32
    }
    %scan3A_67 = arith.constant 512 : i32
    %dma_start3A_68 = arith.constant 1024 : i32
    %dma_start3A_69 = tpu.memref_slice %arg22[%dma_start3A_68] : memref<17408xf32, #tpu.memory_space<vmem>> -> memref<8192xf32, #tpu.memory_space<vmem>>
    %dma_start3A_70 = arith.constant 0 : i32
    %dma_start3A_71 = tpu.memref_slice %arg5[%dma_start3A_70] : memref<262144xf32, #tpu.memory_space<hbm>> -> memref<262144xf32, #tpu.memory_space<hbm>>
    tpu.enqueue_indirect_dma source(%dma_start3A_71 : memref<262144xf32, #tpu.memory_space<hbm>>) target(%dma_start3A_69 : memref<8192xf32, #tpu.memory_space<vmem>>) offsets(%arg16 : memref<8192xi32, #tpu.memory_space<vmem>>) semaphore(%arg26 : memref<!tpu.dma_semaphore, #tpu.memory_space<semaphore_mem>>)
    %dma_start3A_72 = arith.constant 0 : i32
    %dma_start3A_73 = tpu.memref_slice %arg6[%dma_start3A_72] : memref<16384xf32, #tpu.memory_space<hbm>> -> memref<16384xf32, #tpu.memory_space<hbm>>
    tpu.enqueue_indirect_dma source(%dma_start3A_73 : memref<16384xf32, #tpu.memory_space<hbm>>) target(%arg20 : memref<512xf32, #tpu.memory_space<vmem>>) offsets(%arg15 : memref<512xi32, #tpu.memory_space<vmem>>) semaphore(%arg25 : memref<!tpu.dma_semaphore, #tpu.memory_space<semaphore_mem>>)
    %dma_start3A_74 = arith.constant 0 : i32
    %dma_start3A_75 = tpu.memref_slice %arg7[%dma_start3A_74] : memref<16384xf32, #tpu.memory_space<hbm>> -> memref<16384xf32, #tpu.memory_space<hbm>>
    tpu.enqueue_indirect_dma source(%dma_start3A_75 : memref<16384xf32, #tpu.memory_space<hbm>>) target(%arg21 : memref<512xf32, #tpu.memory_space<vmem>>) offsets(%arg15 : memref<512xi32, #tpu.memory_space<vmem>>) semaphore(%arg25 : memref<!tpu.dma_semaphore, #tpu.memory_space<semaphore_mem>>)
    %broadcast_in_dim3A = arith.constant 0.000000e+00 : f32
    %broadcast_in_dim3A_76 = vector.broadcast %broadcast_in_dim3A : f32 to vector<16xf32>
    %scan3A_77 = arith.constant 0 : i32
    %scan3A_78 = arith.constant 0 : i32
    %scan3A_79 = arith.constant 512 : i32
    %scan3A_80 = arith.addi %scan3A_78, %scan3A_79 : i32
    %scan3A_81 = arith.constant 1 : i32
    %scan3A_82 = scf.for %scan3A_106 = %scan3A_78 to %scan3A_80 step %scan3A_81 iter_args(%scan3A_107 = %scan3A_77) -> (i32)  : i32 {
      %mul3A_108 = arith.constant 16 : i32
      %mul3A_109 = arith.muli %scan3A_106, %mul3A_108 : i32
      %add3A_110 = arith.constant 9216 : i32
      %add3A_111 = arith.addi %add3A_110, %mul3A_109 : i32
      %swap3A = arith.index_cast %add3A_111 : i32 to index
      %swap3A_112 = tpu.vector_load %arg22[%swap3A] {strides = array<i32>} : memref<17408xf32, #tpu.memory_space<vmem>>, vector<16xf32>,
      tpu.vector_store %arg22[%swap3A], %broadcast_in_dim3A_76 {strides = array<i32>} : memref<17408xf32, #tpu.memory_space<vmem>>, vector<16xf32>,
      %scan3A_113 = arith.constant 0 : i32
      scf.yield %scan3A_113 : i32
    }
    %scan3A_83 = arith.constant 512 : i32
    %dma_wait3A = arith.constant 0 : i32
    %dma_wait3A_84 = tpu.memref_slice %arg2[%dma_wait3A] : memref<1000000xf32, #tpu.memory_space<hbm>> -> memref<1000000xf32, #tpu.memory_space<hbm>>
    tpu.wait_indirect_dma semaphore(%arg24 : memref<!tpu.dma_semaphore, #tpu.memory_space<semaphore_mem>>) src(%dma_wait3A_84 : memref<1000000xf32, #tpu.memory_space<hbm>>) dst(%arg17 : memref<512xf32, #tpu.memory_space<vmem>>)
    %dma_wait3A_85 = arith.constant 0 : i32
    %dma_wait3A_86 = tpu.memref_slice %arg3[%dma_wait3A_85] : memref<1000000xf32, #tpu.memory_space<hbm>> -> memref<1000000xf32, #tpu.memory_space<hbm>>
    tpu.wait_indirect_dma semaphore(%arg24 : memref<!tpu.dma_semaphore, #tpu.memory_space<semaphore_mem>>) src(%dma_wait3A_86 : memref<1000000xf32, #tpu.memory_space<hbm>>) dst(%arg18 : memref<512xf32, #tpu.memory_space<vmem>>)
    %dma_wait3A_87 = arith.constant 0 : i32
    %dma_wait3A_88 = tpu.memref_slice %arg4[%dma_wait3A_87] : memref<1000000xf32, #tpu.memory_space<hbm>> -> memref<1000000xf32, #tpu.memory_space<hbm>>
    tpu.wait_indirect_dma semaphore(%arg24 : memref<!tpu.dma_semaphore, #tpu.memory_space<semaphore_mem>>) src(%dma_wait3A_88 : memref<1000000xf32, #tpu.memory_space<hbm>>) dst(%arg19 : memref<512xf32, #tpu.memory_space<vmem>>)
    %dma_wait3A_89 = arith.constant 0 : i32
    %dma_wait3A_90 = tpu.memref_slice %arg6[%dma_wait3A_89] : memref<16384xf32, #tpu.memory_space<hbm>> -> memref<16384xf32, #tpu.memory_space<hbm>>
    tpu.wait_indirect_dma semaphore(%arg25 : memref<!tpu.dma_semaphore, #tpu.memory_space<semaphore_mem>>) src(%dma_wait3A_90 : memref<16384xf32, #tpu.memory_space<hbm>>) dst(%arg20 : memref<512xf32, #tpu.memory_space<vmem>>)
    %dma_wait3A_91 = arith.constant 0 : i32
    %dma_wait3A_92 = tpu.memref_slice %arg7[%dma_wait3A_91] : memref<16384xf32, #tpu.memory_space<hbm>> -> memref<16384xf32, #tpu.memory_space<hbm>>
    tpu.wait_indirect_dma semaphore(%arg25 : memref<!tpu.dma_semaphore, #tpu.memory_space<semaphore_mem>>) src(%dma_wait3A_92 : memref<16384xf32, #tpu.memory_space<hbm>>) dst(%arg21 : memref<512xf32, #tpu.memory_space<vmem>>)
    %scan3A_93 = arith.constant 0 : i32
    %scan3A_94 = arith.constant 0 : i32
    %scan3A_95 = arith.constant 32 : i32
    %scan3A_96 = arith.addi %scan3A_94, %scan3A_95 : i32
    %scan3A_97 = arith.constant 1 : i32
    %scan3A_98 = scf.for %scan3A_106 = %scan3A_94 to %scan3A_96 step %scan3A_97 iter_args(%scan3A_107 = %scan3A_93) -> (i32)  : i32 {
      %mul3A_108 = arith.constant 16 : i32
      %mul3A_109 = arith.muli %scan3A_106, %mul3A_108 : i32
      %get3A = arith.index_cast %mul3A_109 : i32 to index
      %get3A_110 = tpu.vector_load %arg20[%get3A] {strides = array<i32>} : memref<512xf32, #tpu.memory_space<vmem>>, vector<16xf32>,
      %get3A_111 = arith.index_cast %mul3A_109 : i32 to index
      %get3A_112 = tpu.vector_load %arg17[%get3A_111] {strides = array<i32>} : memref<512xf32, #tpu.memory_space<vmem>>, vector<16xf32>,
      %min3A = arith.minimumf %get3A_110, %get3A_112 : vector<16xf32>
      %get3A_113 = arith.index_cast %mul3A_109 : i32 to index
      %get3A_114 = tpu.vector_load %arg19[%get3A_113] {strides = array<i32>} : memref<512xf32, #tpu.memory_space<vmem>>, vector<16xf32>,
      %get3A_115 = arith.index_cast %mul3A_109 : i32 to index
      %get3A_116 = tpu.vector_load %arg18[%get3A_115] {strides = array<i32>} : memref<512xf32, #tpu.memory_space<vmem>>, vector<16xf32>,
      %mul3A_117 = arith.mulf %get3A_116, %get3A_114 : vector<16xf32>
      %get3A_118 = arith.index_cast %mul3A_109 : i32 to index
      %get3A_119 = tpu.vector_load %arg21[%get3A_118] {strides = array<i32>} : memref<512xf32, #tpu.memory_space<vmem>>, vector<16xf32>,
      %add3A_120 = arith.addf %mul3A_117, %get3A_119 : vector<16xf32>
      %add3A_121 = arith.constant 1.000000e+00 : f32
      %add3A_122 = vector.broadcast %add3A_121 : f32 to vector<16xf32>
      %add3A_123 = arith.addf %get3A_114, %add3A_122 : vector<16xf32>
      %div3A = arith.divf %add3A_120, %add3A_123 : vector<16xf32>
      %mul3A_124 = arith.constant 16 : i32
      %mul3A_125 = arith.muli %scan3A_106, %mul3A_124 : i32
      %swap3A = arith.index_cast %mul3A_125 : i32 to index
      %swap3A_126 = tpu.vector_load %arg22[%swap3A] {strides = array<i32>} : memref<17408xf32, #tpu.memory_space<vmem>>, vector<16xf32>,
      tpu.vector_store %arg22[%swap3A], %min3A {strides = array<i32>} : memref<17408xf32, #tpu.memory_space<vmem>>, vector<16xf32>,
      %mul3A_127 = arith.constant 16 : i32
      %mul3A_128 = arith.muli %scan3A_106, %mul3A_127 : i32
      %add3A_129 = arith.constant 512 : i32
      %add3A_130 = arith.addi %add3A_129, %mul3A_128 : i32
      %swap3A_131 = arith.index_cast %add3A_130 : i32 to index
      %swap3A_132 = tpu.vector_load %arg22[%swap3A_131] {strides = array<i32>} : memref<17408xf32, #tpu.memory_space<vmem>>, vector<16xf32>,
      tpu.vector_store %arg22[%swap3A_131], %div3A {strides = array<i32>} : memref<17408xf32, #tpu.memory_space<vmem>>, vector<16xf32>,
      %scan3A_133 = arith.constant 0 : i32
      scf.yield %scan3A_133 : i32
    }
    %scan3A_99 = arith.constant 32 : i32
    %dma_wait3A_100 = arith.constant 1024 : i32
    %dma_wait3A_101 = tpu.memref_slice %arg22[%dma_wait3A_100] : memref<17408xf32, #tpu.memory_space<vmem>> -> memref<8192xf32, #tpu.memory_space<vmem>>
    %dma_wait3A_102 = arith.constant 0 : i32
    %dma_wait3A_103 = tpu.memref_slice %arg5[%dma_wait3A_102] : memref<262144xf32, #tpu.memory_space<hbm>> -> memref<262144xf32, #tpu.memory_space<hbm>>
    tpu.wait_indirect_dma semaphore(%arg26 : memref<!tpu.dma_semaphore, #tpu.memory_space<semaphore_mem>>) src(%dma_wait3A_103 : memref<262144xf32, #tpu.memory_space<hbm>>) dst(%dma_wait3A_101 : memref<8192xf32, #tpu.memory_space<vmem>>)
    %mul3A_104 = arith.constant 17408 : i32
    %mul3A_105 = arith.muli %add3A, %mul3A_104 : i32
    "tpu.region"() ({
      %run_scoped3A = tpu.sem_alloc : memref<!tpu.dma_semaphore, #tpu.memory_space<semaphore_mem>>
      %dma_start3A_106 = tpu.memref_slice %arg9[%mul3A_105] : memref<557056xf32, #tpu.memory_space<hbm>> -> memref<17408xf32, #tpu.memory_space<hbm>>
      %dma_start3A_107 = tpu.memref_slice %arg9[%mul3A_105] : memref<557056xf32, #tpu.memory_space<hbm>> -> memref<17408xf32, #tpu.memory_space<hbm>>
      tpu.enqueue_dma source(%arg22 : memref<17408xf32, #tpu.memory_space<vmem>>) target(%dma_start3A_107 : memref<17408xf32, #tpu.memory_space<hbm>>) target_semaphore(%run_scoped3A : memref<!tpu.dma_semaphore, #tpu.memory_space<semaphore_mem>>)
      %dma_wait3A_108 = tpu.memref_slice %arg9[%mul3A_105] : memref<557056xf32, #tpu.memory_space<hbm>> -> memref<17408xf32, #tpu.memory_space<hbm>>
      %dma_wait3A_109 = tpu.memref_slice %arg9[%mul3A_105] : memref<557056xf32, #tpu.memory_space<hbm>> -> memref<17408xf32, #tpu.memory_space<hbm>>
      tpu.wait_dma2 semaphore(%run_scoped3A : memref<!tpu.dma_semaphore, #tpu.memory_space<semaphore_mem>>) src(%arg22 : memref<17408xf32, #tpu.memory_space<vmem>>) dst(%dma_wait3A_109 : memref<17408xf32, #tpu.memory_space<hbm>>)
      tpu.yield
    }) : () -> ()
    return
  }
}

#map = affine_map<(d0, d1) -> (0)>
module attributes {stable_mosaic.version = 14 : i64} {
  func.func @_sc_lab_body(%arg0: i32, %arg1: i32, %arg2: memref<557056xf32, #tpu.memory_space<hbm>>, %arg3: memref<1000000xi32, #tpu.memory_space<hbm>>, %arg4: memref<16384xi32, #tpu.memory_space<hbm>>, %arg5: memref<557056xf32, #tpu.memory_space<hbm>>, %arg6: memref<512xi32, #tpu.memory_space<vmem>>, %arg7: memref<512xi32, #tpu.memory_space<vmem>>, %arg8: memref<17408xf32, #tpu.memory_space<vmem>>, %arg9: memref<!tpu.dma_semaphore, #tpu.memory_space<semaphore_mem>>) attributes {dimension_semantics = [#tpu.dimension_semantics<core_parallel>, #tpu.dimension_semantics<subcore_parallel>], iteration_bounds = array<i64: 2, 16>, scalar_prefetch = 0 : i64, scratch_operands = 4 : i64, tpu.core_type = #tpu.core_type<sc_vector_subcore>, window_params = [{transform_indices = #map}, {transform_indices = #map}, {transform_indices = #map}, {transform_indices = #map}]} {
    %mul3A = arith.constant 16 : i32
    %mul3A_0 = arith.muli %arg0, %mul3A : i32
    %add3A = arith.addi %mul3A_0, %arg1 : i32
    %mul3A_1 = arith.constant 512 : i32
    %mul3A_2 = arith.muli %add3A, %mul3A_1 : i32
    %mul3A_3 = arith.constant 17408 : i32
    %mul3A_4 = arith.muli %add3A, %mul3A_3 : i32
    %dma_start3A = tpu.memref_slice %arg2[%mul3A_4] : memref<557056xf32, #tpu.memory_space<hbm>> -> memref<17408xf32, #tpu.memory_space<hbm>>
    %dma_start3A_5 = tpu.memref_slice %arg2[%mul3A_4] : memref<557056xf32, #tpu.memory_space<hbm>> -> memref<17408xf32, #tpu.memory_space<hbm>>
    tpu.enqueue_dma source(%dma_start3A_5 : memref<17408xf32, #tpu.memory_space<hbm>>) target(%arg8 : memref<17408xf32, #tpu.memory_space<vmem>>) target_semaphore(%arg9 : memref<!tpu.dma_semaphore, #tpu.memory_space<semaphore_mem>>)
    "tpu.region"() ({
      %run_scoped3A = tpu.sem_alloc : memref<!tpu.dma_semaphore, #tpu.memory_space<semaphore_mem>>
      %dma_start3A_16 = tpu.memref_slice %arg4[%mul3A_2] : memref<16384xi32, #tpu.memory_space<hbm>> -> memref<512xi32, #tpu.memory_space<hbm>>
      %dma_start3A_17 = tpu.memref_slice %arg4[%mul3A_2] : memref<16384xi32, #tpu.memory_space<hbm>> -> memref<512xi32, #tpu.memory_space<hbm>>
      tpu.enqueue_dma source(%dma_start3A_17 : memref<512xi32, #tpu.memory_space<hbm>>) target(%arg6 : memref<512xi32, #tpu.memory_space<vmem>>) target_semaphore(%run_scoped3A : memref<!tpu.dma_semaphore, #tpu.memory_space<semaphore_mem>>)
      %dma_wait3A_18 = tpu.memref_slice %arg4[%mul3A_2] : memref<16384xi32, #tpu.memory_space<hbm>> -> memref<512xi32, #tpu.memory_space<hbm>>
      %dma_wait3A_19 = tpu.memref_slice %arg4[%mul3A_2] : memref<16384xi32, #tpu.memory_space<hbm>> -> memref<512xi32, #tpu.memory_space<hbm>>
      tpu.wait_dma2 semaphore(%run_scoped3A : memref<!tpu.dma_semaphore, #tpu.memory_space<semaphore_mem>>) src(%dma_wait3A_19 : memref<512xi32, #tpu.memory_space<hbm>>) dst(%arg6 : memref<512xi32, #tpu.memory_space<vmem>>)
      tpu.yield
    }) : () -> ()
    "tpu.region"() ({
      %run_scoped3A = tpu.sem_alloc : memref<!tpu.dma_semaphore, #tpu.memory_space<semaphore_mem>>
      %dma_start3A_16 = arith.constant 0 : i32
      %dma_start3A_17 = tpu.memref_slice %arg3[%dma_start3A_16] : memref<1000000xi32, #tpu.memory_space<hbm>> -> memref<1000000xi32, #tpu.memory_space<hbm>>
      tpu.enqueue_indirect_dma source(%dma_start3A_17 : memref<1000000xi32, #tpu.memory_space<hbm>>) target(%arg7 : memref<512xi32, #tpu.memory_space<vmem>>) offsets(%arg6 : memref<512xi32, #tpu.memory_space<vmem>>) semaphore(%run_scoped3A : memref<!tpu.dma_semaphore, #tpu.memory_space<semaphore_mem>>)
      %dma_wait3A_18 = arith.constant 0 : i32
      %dma_wait3A_19 = tpu.memref_slice %arg3[%dma_wait3A_18] : memref<1000000xi32, #tpu.memory_space<hbm>> -> memref<1000000xi32, #tpu.memory_space<hbm>>
      tpu.wait_indirect_dma semaphore(%run_scoped3A : memref<!tpu.dma_semaphore, #tpu.memory_space<semaphore_mem>>) src(%dma_wait3A_19 : memref<1000000xi32, #tpu.memory_space<hbm>>) dst(%arg7 : memref<512xi32, #tpu.memory_space<vmem>>)
      tpu.yield
    }) : () -> ()
    %dma_wait3A = tpu.memref_slice %arg2[%mul3A_4] : memref<557056xf32, #tpu.memory_space<hbm>> -> memref<17408xf32, #tpu.memory_space<hbm>>
    %dma_wait3A_6 = tpu.memref_slice %arg2[%mul3A_4] : memref<557056xf32, #tpu.memory_space<hbm>> -> memref<17408xf32, #tpu.memory_space<hbm>>
    tpu.wait_dma2 semaphore(%arg9 : memref<!tpu.dma_semaphore, #tpu.memory_space<semaphore_mem>>) src(%dma_wait3A_6 : memref<17408xf32, #tpu.memory_space<hbm>>) dst(%arg8 : memref<17408xf32, #tpu.memory_space<vmem>>)
    %iota3A = tpu.iota {dimensions = array<i32: 0>} : vector<16xi32>
    %broadcast_in_dim3A = arith.constant 1.000000e+00 : f32
    %broadcast_in_dim3A_7 = vector.broadcast %broadcast_in_dim3A : f32 to vector<16xf32>
    %scan3A = arith.constant 0 : i32
    %scan3A_8 = arith.constant 0 : i32
    %scan3A_9 = arith.constant 32 : i32
    %scan3A_10 = arith.addi %scan3A_8, %scan3A_9 : i32
    %scan3A_11 = arith.constant 1 : i32
    %scan3A_12 = scf.for %scan3A_16 = %scan3A_8 to %scan3A_10 step %scan3A_11 iter_args(%scan3A_17 = %scan3A) -> (i32)  : i32 {
      %mul3A_18 = arith.constant 16 : i32
      %mul3A_19 = arith.muli %scan3A_16, %mul3A_18 : i32
      %get3A = arith.index_cast %mul3A_19 : i32 to index
      %get3A_20 = tpu.vector_load %arg7[%get3A] {strides = array<i32>} : memref<512xi32, #tpu.memory_space<vmem>>, vector<16xi32>,
      %add3A_21 = arith.constant 18 : i32
      %add3A_22 = vector.broadcast %add3A_21 : i32 to vector<16xi32>
      %add3A_23 = arith.addi %add3A_22, %get3A_20 : vector<16xi32>
      %mul3A_24 = arith.constant 512 : i32
      %mul3A_25 = vector.broadcast %mul3A_24 : i32 to vector<16xi32>
      %mul3A_26 = arith.muli %add3A_23, %mul3A_25 : vector<16xi32>
      %mul3A_27 = arith.constant 16 : i32
      %mul3A_28 = arith.muli %scan3A_16, %mul3A_27 : i32
      %add3A_29 = vector.broadcast %mul3A_28 : i32 to vector<16xi32>
      %add3A_30 = arith.addi %mul3A_26, %add3A_29 : vector<16xi32>
      %add3A_31 = arith.addi %add3A_30, %iota3A : vector<16xi32>
      tpu.vector_store_idx %arg8[%add3A_31], %broadcast_in_dim3A_7 : memref<17408xf32, #tpu.memory_space<vmem>>[vector<16xi32>], vector<16xf32>,
      %scan3A_32 = arith.constant 0 : i32
      scf.yield %scan3A_32 : i32
    }
    %scan3A_13 = arith.constant 32 : i32
    %mul3A_14 = arith.constant 17408 : i32
    %mul3A_15 = arith.muli %add3A, %mul3A_14 : i32
    "tpu.region"() ({
      %run_scoped3A = tpu.sem_alloc : memref<!tpu.dma_semaphore, #tpu.memory_space<semaphore_mem>>
      %dma_start3A_16 = tpu.memref_slice %arg5[%mul3A_15] : memref<557056xf32, #tpu.memory_space<hbm>> -> memref<17408xf32, #tpu.memory_space<hbm>>
      %dma_start3A_17 = tpu.memref_slice %arg5[%mul3A_15] : memref<557056xf32, #tpu.memory_space<hbm>> -> memref<17408xf32, #tpu.memory_space<hbm>>
      tpu.enqueue_dma source(%arg8 : memref<17408xf32, #tpu.memory_space<vmem>>) target(%dma_start3A_17 : memref<17408xf32, #tpu.memory_space<hbm>>) target_semaphore(%run_scoped3A : memref<!tpu.dma_semaphore, #tpu.memory_space<semaphore_mem>>)
      %dma_wait3A_18 = tpu.memref_slice %arg5[%mul3A_15] : memref<557056xf32, #tpu.memory_space<hbm>> -> memref<17408xf32, #tpu.memory_space<hbm>>
      %dma_wait3A_19 = tpu.memref_slice %arg5[%mul3A_15] : memref<557056xf32, #tpu.memory_space<hbm>> -> memref<17408xf32, #tpu.memory_space<hbm>>
      tpu.wait_dma2 semaphore(%run_scoped3A : memref<!tpu.dma_semaphore, #tpu.memory_space<semaphore_mem>>) src(%arg8 : memref<17408xf32, #tpu.memory_space<vmem>>) dst(%dma_wait3A_19 : memref<17408xf32, #tpu.memory_space<hbm>>)
      tpu.yield
    }) : () -> ()
    return
  }
}

module attributes {stable_mosaic.version = 14 : i64} {
  func.func @_tc_probt_body(%arg0: memref<16384x16xf32, #tpu.memory_space<vmem>>, %arg1: memref<262144xf32, #tpu.memory_space<vmem>>) attributes {dimension_semantics = [], scalar_prefetch = 0 : i64, scratch_operands = 0 : i64, tpu.core_type = #tpu.core_type<tc>} {
    %get3A = arith.constant 0 : index
    %get3A_0 = arith.constant 0 : index
    %get3A_1 = vector.load %arg0[%get3A, %get3A_0] : memref<16384x16xf32, #tpu.memory_space<vmem>>, vector<16384x16xf32>
    %transpose3A = tpu.transpose %get3A_1, [1, 0] : vector<16384x16xf32> -> vector<16x16384xf32>
    %reshape3A = vector.shape_cast %transpose3A : vector<16x16384xf32> to vector<262144xf32>
    %swap3A = arith.constant 0 : index
    %swap3A_2 = vector.load %arg1[%swap3A] : memref<262144xf32, #tpu.memory_space<vmem>>, vector<262144xf32>
    tpu.vector_store %arg1[%swap3A], %reshape3A {strides = array<i32>} : memref<262144xf32, #tpu.memory_space<vmem>>, vector<262144xf32>,
    return
  }
}

module attributes {stable_mosaic.version = 14 : i64} {
  func.func @_tc_lidx_body(%arg0: i32, %arg1: memref<16x32768xf32, #tpu.memory_space<vmem>>, %arg2: memref<32768xi32, #tpu.memory_space<vmem>>) attributes {dimension_semantics = [#tpu.dimension_semantics<arbitrary>], iteration_bounds = array<i64: 31>, scalar_prefetch = 0 : i64, scratch_operands = 0 : i64, tpu.core_type = #tpu.core_type<tc>, window_params = [{transform_indices = @transform_0, window_bounds = array<i64: 16, 32768>}, {transform_indices = @transform_1, window_bounds = array<i64: 32768>}]} {
    %iota3A = tpu.iota {dimensions = array<i32: 1>} : vector<1x16xi32>
    %convert_element_type3A = arith.sitofp %iota3A : vector<1x16xi32> to vector<1x16xf32>
    %get3A = arith.constant 0 : index
    %get3A_0 = arith.constant 0 : index
    %get3A_1 = vector.load %arg1[%get3A, %get3A_0] : memref<16x32768xf32, #tpu.memory_space<vmem>>, vector<16x32768xf32>
    %dot_general3A = arith.constant dense<0.000000e+00> : vector<1x32768xf32>
    %dot_general3A_2 = tpu.matmul %convert_element_type3A, %get3A_1, %dot_general3A {dimension_numbers = #tpu.dot_dimension_numbers<[1], [0], [0], [1], [0, 0, 1, 1], [], []>, transpose_lhs_hint = false} : vector<1x16xf32>, vector<16x32768xf32>, vector<1x32768xf32> -> vector<1x32768xf32>
    %squeeze3A = vector.shape_cast %dot_general3A_2 : vector<1x32768xf32> to vector<32768xf32>
    %convert_element_type3A_3 = arith.fptosi %squeeze3A : vector<32768xf32> to vector<32768xi32>
    %swap3A = arith.constant 0 : index
    %swap3A_4 = vector.load %arg2[%swap3A] : memref<32768xi32, #tpu.memory_space<vmem>>, vector<32768xi32>
    tpu.vector_store %arg2[%swap3A], %convert_element_type3A_3 {strides = array<i32>} : memref<32768xi32, #tpu.memory_space<vmem>>, vector<32768xi32>,
    return
  }
  func.func @transform_0(%arg0: i32) -> (i32, i32) {
    %c0_i32 = arith.constant 0 : i32
    %c0_i32_0 = arith.constant 0 : i32
    return %c0_i32, %arg0 : i32, i32
  }
  func.func @transform_1(%arg0: i32) -> i32 {
    %c0_i32 = arith.constant 0 : i32
    return %arg0 : i32
  }
}

module attributes {stable_mosaic.version = 14 : i64} {
  func.func @_tc_retile_body(%arg0: i32, %arg1: memref<17408xf32, #tpu.memory_space<vmem>>, %arg2: memref<34x512xf32, #tpu.memory_space<vmem>>) attributes {dimension_semantics = [#tpu.dimension_semantics<arbitrary>], iteration_bounds = array<i64: 32>, scalar_prefetch = 0 : i64, scratch_operands = 0 : i64, tpu.core_type = #tpu.core_type<tc>, window_params = [{transform_indices = @transform_0, window_bounds = array<i64: 17408>}, {transform_indices = @transform_1, window_bounds = array<i64: 34, 512>}]} {
    %get3A = arith.constant 0 : index
    %get3A_0 = vector.load %arg1[%get3A] : memref<17408xf32, #tpu.memory_space<vmem>>, vector<17408xf32>
    %reshape3A = vector.shape_cast %get3A_0 : vector<17408xf32> to vector<34x512xf32>
    %swap3A = arith.constant 0 : index
    %swap3A_1 = arith.constant 0 : index
    %swap3A_2 = vector.load %arg2[%swap3A, %swap3A_1] : memref<34x512xf32, #tpu.memory_space<vmem>>, vector<34x512xf32>
    tpu.vector_store %arg2[%swap3A, %swap3A_1], %reshape3A {strides = array<i32>} : memref<34x512xf32, #tpu.memory_space<vmem>>, vector<34x512xf32>,
    return
  }
  func.func @transform_0(%arg0: i32) -> i32 {
    %c0_i32 = arith.constant 0 : i32
    return %arg0 : i32
  }
  func.func @transform_1(%arg0: i32) -> (i32, i32) {
    %c0_i32 = arith.constant 0 : i32
    %c0_i32_0 = arith.constant 0 : i32
    return %c0_i32, %arg0 : i32, i32
  }
}

</mosaic_0001>

<sc_bundles>
// kernel: _run.10.cloned.1.call-start
scs
__scs_entry_jumppad:
0x0: {  	(pc) =	sbr.rel $0x88, $3  }
0x1: {  	(tag) =	ssettag $0x0;
	lr =	simm.s32 $0x1  }
0x2: {  	[smem:$0x3F99] =	sst lr;
	_ =	strace $0xD0000000  }
0x3: {  	_ = 	snop  }
0x4: {  	_ = 	snop  }
0x5: {  	_ = 	snop  }
0x6: {  	_ = 	snop  }
0x7: {  	_ = 	snop  }
__scs_overlays_trampoline_lowered:
0x8: {  	[smem:$0x3FA8] =	sst s0  }
0x9: {  	[smem:$0x3FA9] =	sst s1  }
0xa: {  	[smem:$0x3FAA] =	sst s2  }
0xb: {  	[smem:$0x3FAB] =	sst s3  }
0xc: {  	[smem:$0x3FAC] =	sst s4  }
0xd: {  	[smem:$0x3FAD] =	sst s5  }
0xe: {  	[smem:$0x3FAE] =	sst s6  }
0xf: {  	[smem:$0x3FAF] =	sst s7  }
0x10: {  	[smem:$0x3FB0] =	sst s8  }
0x11: {  	[smem:$0x3FB1] =	sst s9;
	s0 =	simm.s32 @!p0 $0x0  }
0x12: {  	s1 =	sld [smem:$0x3F97];
	s0 =	simm.s32 @p0 $0x1  }
0x13: {  	[smem:$0x3FB2] =	sst s0;
	s0 =	simm.s32 @!p1 $0x0  }
0x14: {  	s2 =	sld [smem:$0x3F96];
	s0 =	simm.s32 @p1 $0x1  }
0x15: {  	[smem:$0x3FB3] =	sst s0;
	s0 =	simm.s32 @!p2 $0x0  }
0x16: {  	s3 =	sld [smem:$0x3FDB];
	s0 =	simm.s32 @p2 $0x1  }
0x17: {  	s4 =	simm.s32 $0x1BF5;
	[smem:$0x3FB5] =	sst s0  }
0x18: {  	s0 =	sld [smem:$0x3F98];
	_ =	swait.ge [sflag:s4], $0x0  }
0x19: {  	s7 =	sld [smem:$0x3F99]  }
0x1a: {  	s8 =	sadd.s32 $0xFFFFE003, lr  }
0x1b: {  	s9 =	sadd.s32 $0xFFFFFEF7, lr;
	s5 =	simm.s32 $0xFFFFFFFF;
	p2 =	slt.u32 s8, $0xFFFFF086  }
0x1c: {  	p1 =	slt.u32 s9, $0xF7A;
	s5 =	simm.s32 @!p2 $0x0  }
0x1d: {  	s5 =	simm.s32 @p1 $0x1;
	p0 =	seq.s32 s7, s2  }
0x1e: {  	s7 =	smul.u32 @!p0 $0xF7A, s2;
	p2 =	seq.s32 @!p0 s5, $0x0  }
0x1f: {  	s9 =	smul.u32 $0xF7A, s1;
	s8 =	simm.s32 @!p0 $0x1BF5;
	p2 =	por !p2, p0  }
0x20: {  	[sflag:s8] =	ssyncset.s32 @!p0 $0xFFFFF086;
	s6 =	sadd.s32 @!p0 s3, s7;
	s7 =	simm.s32 @!p0 $0x108  }
0x21: {  	s3 =	sadd.s32 s3, s9;
	s6 =	sadd.s32 @!p0 $0x88, s6;
	s7 =	simm.s32 @p2 $0x1082  }
0x22: {  	[simem:s7], [sflag:s8] =	dma.local @!p0 [hbm:s6], $0xF7A  }
0x23: {  	s9 =	sor.u32 $0xD0000000, s2;
	s6 =	simm.s32 $0x108;
	_ =	swait.ge @!p0 [sflag:s8], $0x0  }
0x24: {  	s3 =	sadd.s32 $0x88, s3;
	s6 =	simm.s32 @!p1 $0x1082;
	[sflag:s4] =	ssyncset.s32 $0xFFFFF086  }
0x25: {  	[simem:s6], [sflag:s4] =	dma.local [hbm:s3], $0xF7A  }
0x26: {  	[smem:$0x3F99] =	sst s1;
	(tag) =	ssettag s2;
	_ =	strace s9  }
0x27: {  	s1 =	sld [smem:$0x3FA9]  }
0x28: {  	s2 =	sld [smem:$0x3FAA]  }
0x29: {  	s4 =	sld [smem:$0x3FAC]  }
0x2a: {  	p0 =	seq.s32 s5, $0x0;
	s5 =	sld [smem:$0x3FAD]  }
0x2b: {  	s6 =	sld [smem:$0x3FAE]  }
0x2c: {  	s7 =	sld [smem:$0x3FAF]  }
0x2d: {  	s3 =	simm.s32 $0x108;
	s8 =	sld [smem:$0x3FB0]  }
0x2e: {  	s3 =	simm.s32 @!p0 $0x1082;
	s9 =	sld [smem:$0x3FB1]  }
0x2f: {  	lr =	sadd.s32 s0, s3;
	s0 =	sld [smem:$0x3FA8]  }
0x30: {  	s3 =	sld [smem:$0x3FAB]  }
0x31: {  	[smem:$0x3FB4] =	sst s10  }
0x32: {  	s10 =	sld [smem:$0x3FB2];
	_ =	sdelay $0x3  }
0x33: {  	p0 =	seq.s32 s10, $0x1;
	s10 =	sld [smem:$0x3FB4];
	_ =	sdelay $0x3  }
0x34: {  	[smem:$0x3FB4] =	sst s10  }
0x35: {  	s10 =	sld [smem:$0x3FB3];
	_ =	sdelay $0x3  }
0x36: {  	p1 =	seq.s32 s10, $0x1;
	s10 =	sld [smem:$0x3FB4];
	_ =	sdelay $0x3  }
0x37: {  	[smem:$0x3FB4] =	sst s10  }
0x38: {  	s10 =	sld [smem:$0x3FB5]  }
0x39: {  	_ = 	snop;
	(pc) =	sbr.ind lr, $3  }
0x3a: {  	_ = 	snop  }
0x3b: {  	_ = 	snop  }
0x3c: {  	p2 =	seq.s32 s10, $0x1;
	s10 =	sld [smem:$0x3FB4]  }
0x3d: {  	_ =	shalt  }
0x3e: {  	_ =	shalt  }
0x3f: {  	_ =	shalt  }
0x40: {  	_ =	shalt  }
0x41: {  	_ =	shalt  }
0x42: {  	_ =	shalt  }
0x43: {  	_ =	shalt  }
0x44: {  	_ =	shalt  }
0x45: {  	_ =	shalt  }
0x46: {  	_ =	shalt  }
0x47: {  	_ =	shalt  }
0x48: {  	_ =	shalt  }
0x49: {  	_ =	shalt  }
0x4a: {  	_ =	shalt  }
0x4b: {  	_ =	shalt  }
0x4c: {  	_ =	shalt  }
0x4d: {  	_ =	shalt  }
0x4e: {  	_ =	shalt  }
0x4f: {  	_ =	shalt  }
0x50: {  	_ =	shalt  }
0x51: {  	_ =	shalt  }
0x52: {  	_ =	shalt  }
0x53: {  	_ =	shalt  }
0x54: {  	_ =	shalt  }
0x55: {  	_ =	shalt  }
0x56: {  	_ =	shalt  }
0x57: {  	_ =	shalt  }
0x58: {  	_ =	shalt  }
0x59: {  	_ =	shalt  }
0x5a: {  	_ =	shalt  }
0x5b: {  	_ =	shalt  }
0x5c: {  	_ =	shalt  }
0x5d: {  	_ =	shalt  }
0x5e: {  	_ =	shalt  }
0x5f: {  	_ =	shalt  }
0x60: {  	_ =	shalt  }
0x61: {  	_ =	shalt  }
0x62: {  	_ =	shalt  }
0x63: {  	_ =	shalt  }
0x64: {  	_ =	shalt  }
0x65: {  	_ =	shalt  }
0x66: {  	_ =	shalt  }
0x67: {  	_ =	shalt  }
0x68: {  	_ =	shalt  }
0x69: {  	_ =	shalt  }
0x6a: {  	_ =	shalt  }
0x6b: {  	_ =	shalt  }
0x6c: {  	_ =	shalt  }
0x6d: {  	_ =	shalt  }
0x6e: {  	_ =	shalt  }
0x6f: {  	_ =	shalt  }
0x70: {  	_ =	shalt  }
0x71: {  	_ =	shalt  }
0x72: {  	_ =	shalt  }
0x73: {  	_ =	shalt  }
0x74: {  	_ =	shalt  }
0x75: {  	_ =	shalt  }
0x76: {  	_ =	shalt  }
0x77: {  	_ =	shalt  }
0x78: {  	_ =	shalt  }
0x79: {  	_ =	shalt  }
0x7a: {  	_ =	shalt  }
0x7b: {  	_ =	shalt  }
0x7c: {  	_ =	shalt  }
0x7d: {  	_ =	shalt  }
0x7e: {  	_ =	shalt  }
0x7f: {  	_ =	shalt  }
0x80: {  	_ =	shalt  }
0x81: {  	_ =	shalt  }
0x82: {  	_ =	shalt  }
0x83: {  	_ =	shalt  }
0x84: {  	_ =	shalt  }
0x85: {  	_ =	shalt  }
0x86: {  	_ =	shalt  }
0x87: {  	_ =	shalt  }
.Lfunc_end0:
.L_simem_size_0:
called_computation.1_lowered:
.L_overlay_start_0:
0x88: {  	s2 =	sld [smem:$0x3FD9]  }
0x89: {  	s3 =	sld [smem:$0x3FFE];
	_ =	sdelay $0x1  }
0x8a: {  	s1 =	srdreg.scid  }
0x8b: {  	s0 =	sand.u32 $0x1, s1  }
0x8c: {  	s17 =	sshll.u32 s0, $0xA;
	s2 =	sadd.s32 s3, s2  }
0x8d: {  	s2 =	sadd.s32 s2, s17  }
0x8e: {  	[smem:$0x3FC0] =	sst s2  }
0x8f: {  	_ = 	snop  }
0x90: {  	s2 =	sld [smem:$0x3FC2]  }
0x91: {  	s18 =	sld [smem:$0x3FD0];
	(tm) =	ssettm $0x1  }
0x92: {  	s4 =	sld [smem:$0x3FFB];
	_ =	sdelay $0x3  }
0x93: {  	_ =	strace s4  }
0x94: {  	s4 =	sld [smem:$0x3FFC];
	_ =	sdelay $0x3  }
0x95: {  	_ =	strace s4  }
0x96: {  	s4 =	sld [smem:$0x3FFD];
	_ =	sdelay $0x3  }
0x97: {  	_ =	strace s4  }
0x98: {  	_ =	strace $0x8FFFFFFF  }
0x99: {  	s19 =	sld [smem:$0x3FDB];
	_ =	sdelay $0x1  }
0x9a: {  	s5 =	simm.s32 $_scs_section_size  }
0x9b: {  	s6 =	simm.s32 $_size__tile_overlayer_lowered;
	s7 =	simm.s32 $_tile_overlayer_lowered  }
0x9c: {  	s22 =	simm.s32 $0x1BFF;
	s21 =	sshll.u32 s7, $0x1;
	s4 =	sadd.s32 s5, s19  }
0x9d: {  	s8 =	simm.s32 $0x0;
	s20 =	sshll.u32 s6, $0x1;
	s6 =	sadd.s32 s21, s4  }
0x9e: {  	[timem:s8], [sflag:s22] =	dma.local [hbm:s6], s20  }
0x9f: {  	_ =	swait.ge [sflag:s22], s20  }
0xa0: {  	s5 =	ssub.s32 $0x0, s20;
	[sflag:s22] =	ssyncset.done $0x0  }
0xa1: {  	[sflag:s22] =	ssyncadd.s32 s5;
	_ =	sdelay $0x1  }
0xa2: {  	s23 =	simm.s32 $0x1B8B  }
0xa3: {  	_ =	swait.ge [sflag:s23], $0x1  }
0xa4: {  	[sflag:s23] =	ssyncset.done $0x0  }
0xa5: {  	s25 =	simm.s32 $0x1B8E;
	s24 =	sld [smem:$0x3FFE];
	[sflag:s23] =	ssyncadd.s32 $0xFFFFFFFF  }
0xa6: {  	s26 =	simm.s32 $execute0_lowered;
	[smem:$0x3FD2] =	sst s25  }
0xa7: {  	s6 =	sshll.u32 s26, $0x1;
	_ =	strace $0x80000049;
	[dreg:$0x1] =	wrdreg $0xFFFFFFFF  }
0xa8: {  	s28 =	simm.s32 $_size_execute0_lowered;
	s4 =	sadd.s32 s4, s6;
	[dreg:$0x0] =	wrdreg $0x0  }
0xa9: {  	s6 =	sshll.u32 s28, $0x1;
	[dreg:$0x2] =	wrdreg s4  }
0xaa: {  	[dreg:$0x3] =	wrdreg s6  }
0xab: {  	[dreg:$0x4] =	wrdreg $0xC0  }
0xac: {  	_ =	task [dreg:s8], $0x5FFFF  }
0xad: {  	[dreg:$0x1] =	wrdreg $0xFFFFFFFF  }
0xae: {  	[dreg:$0x0] =	wrdreg $0x60  }
0xaf: {  	[dreg:$0x2] =	wrdreg s24  }
0xb0: {  	[dreg:$0x3] =	wrdreg s2  }
0xb1: {  	[dreg:$0x4] =	wrdreg s18  }
0xb2: {  	[dreg:$0x5] =	wrdreg $0x9  }
0xb3: {  	_ =	task.clear_ibuf [dreg:s8], $0x6FFFF;
	_ =	strace $0x90000049  }
0xb4: {  	s29 =	simm.s32 $0x9;
	_ =	strace $0x8000004B  }
0xb5: {  	_ =	swait.ge [sflag:s29], $0x1  }
0xb6: {  	[sflag:s29] =	ssyncadd.s32 $0xFFFFFFFF  }
0xb7: {  	_ =	strace $0x9000004B  }
0xb8: {  	_ =	sfence  }
0xb9: {  	s30 =	sld [smem:$0x0];
	_ =	sdelay $0x2  }
0xba: {  	s31 =	sshll.u32 s1, $0xD;
	s1 =	sshrl.u32 s1, $0x2  }
0xbb: {  	s3 =	sand.u32 $0x4000, s31;
	s1 =	sadd.s32 s1, s30  }
0xbc: {  	s0 =	sor.u32 s3, s0;
	s1 =	sshll.u32 s1, $0x11  }
0xbd: {  	s0 =	sor.u32 s1, s0  }
0xbe: {  	s0 =	sadd.s32 $0x8F2B, s0  }
0xbf: {  	[sflag:s0] =	ssyncadd.remote.s32 $0x1  }
0xc0: {  	_ =	sfence.sel $0xFFFF  }
0xc1: {  	[dreg:$0x0] =	wrdreg $0xFFFFFFFF;
	(pc) =	sbr.abs _section_cstart, $3  }
0xc2: {  	[dreg:$0x1] =	wrdreg $0xFFFFFFFF  }
0xc3: {  	_ =	task.clear_ibuf [dreg:s8], $0x2FFFF;
	_ =	strace $0x9FFFFFFF  }
0xc4: {  	(tm) =	ssettm $0x7FFFFFFF  }
0xc5: {  	_ =	shalt  }
tec
execute0_lowered:
.L_overlay_start_1:
0x0: {  	(tag) =	ssettag $0x1  }
0x1: {  	s3 =	rddreg [dreg:$0x0]  }
0x2: {  	s0 =	srdreg.scid;
	s5 =	rddreg [dreg:$0x1]  }
0x3: {  	s6 =	rddreg [dreg:$0x2];
	s2 =	simm.s32 $0x0;
	s4 =	sand.u32 $0x1, s0  }
0x4: {  	s11 =	simm.s32 $0x0;
	s0 =	stileid.u32;
	s1 =	sshll.u32 s4, $0x4  }
0x5: {  	[smem:$0x7FF] =	sst s2;
	s4 =	ssub.s32 $0x2, s4;
	s7 =	sor.u32 s0, s1  }
0x6: {  	s1 =	rddreg [dreg:$0x3];
	_ =	strace $0x8000004A;
	s10 =	sshrl.u32 s4, $0x1  }
0x7: {  	s8 =	smul.u32 $0x880, s7;
	s7 =	sshll.u32 s7, $0x6;
	s10 =	ssub.s32 s4, s10  }
0x8: {  	s5 =	sadd.s32 s5, s7;
	s7 =	smax.u32 s10, $0x1;
	s10 =	simm.s32 $0x1  }
0x9: {  	s9 =	sadd.s32 s8, s3;
	s3 =	sadd.s32 $0x11E00, s3;
	s6 =	sadd.s32 s6, s8  }
0xa: {  	v0 =	vlaneseq.u32;
	v1 =	vimm.f32 $1.000000000e+00;
	s8 =	simm.s32 $0x400;
	s4 =	sadd.s32 $0xE00, s9;
	s9 =	simm.s32 $0x2  }
.LBB2_1:
0xb: {  	[tilespmem:s8], [sflag:$0x1] =	stream.linear.gather [hbm4b:s4+s2], $0x4400, $0x38;
	[tilespmem:$0x4800] =	vst v63  }
0xc: {  	_ = 	snop  }
0xd: {  	[tilespmem:s2], [sflag:$0x2] =	stream.linear.gather [hbm4b:s5+s2], $0x200, $0x38;
	[tilespmem:$0x4800] =	vst v63  }
0xe: {  	_ =	swait.ge [sflag:s9], $0x200  }
0xf: {  	[sflag:s9] =	ssyncset.done $0x0  }
0x10: {  	s12 =	simm.s32 $0x200;
	[sflag:s9] =	ssyncadd.s32 $0xFFFFFE00  }
0x11: {  	[tilespmem:s12], [sflag:$0x2] =	stream.indirect.gather [hbm4b:s3+s12], $0x1, s2, s12, $0xb8;
	[tilespmem:$0x4800] =	vst v63  }
0x12: {  	_ =	swait.ge [sflag:s9], $0x200  }
0x13: {  	[sflag:s9] =	ssyncset.done $0x0  }
0x14: {  	[sflag:s9] =	ssyncadd.s32 $0xFFFFFE00  }
0x15: {  	_ =	swait.ge [sflag:s10], $0x4400  }
0x16: {  	[sflag:s10] =	ssyncset.done $0x0  }
0x17: {  	[sflag:s10] =	ssyncadd.s32 $0xFFFFBC00  }
0x18: {  	s13 =	simm.s32 $0x10;
	s14 =	simm.s32 $0x0;
	v2 =	vld [tilespmem:s12+$0x0]  }
.LBB2_2:
0x19: {  	p0 =	sne.s32 s13, $0x1F0  }
0x1a: {  	v3 =	vmov s14;
	s14 =	smov.u32 s13  }
0x1b: {  	v3 =	vadd.s32 $0x2400, v3  }
0x1c: {  	v3 =	vbroadcast v3, $0x0  }
0x1d: {  	v2 =	vshll.u32 v2, $0x9  }
0x1e: {  	v2 =	vadd.s32 v3, v2  }
0x1f: {  	v2 =	vor.u32 v0, v2;
	_ =	sdelay $0x1  }
.Ltmp0:
0x20: {  	(pc) =	sbr.rel @p0 .LBB2_2-.Ltmp0, $3  }
0x21: {  	_ =	sdelay $0x1  }
0x22: {  	s12 =	sadd.s32 $0x10, s12;
	[tilespmem:v2+s8+$0x0] =	vst.idx.msk $0xffff, v1  }
0x23: {  	s13 =	sadd.s32 $0x10, s13;
	v2 =	vld [tilespmem:s12+$0x0]  }
0x24: {  	_ = 	snop  }
0x25: {  	v3 =	vmov s14  }
0x26: {  	v3 =	vadd.s32 $0x2400, v3  }
0x27: {  	v3 =	vbroadcast v3, $0x0  }
0x28: {  	v2 =	vshll.u32 v2, $0x9  }
0x29: {  	v2 =	vadd.s32 v3, v2  }
0x2a: {  	v2 =	vor.u32 v0, v2;
	_ =	sdelay $0x2  }
0x2b: {  	s11 =	sadd.s32 $0x1, s11  }
0x2c: {  	p0 =	sne.s32 s11, s7  }
.Ltmp1:
0x2d: {  	[tilespmem:v2+s8+$0x0] =	vst.idx.msk $0xffff, v1;
	(pc) =	sbr.rel @p0 .LBB2_1-.Ltmp1, $4  }
0x2e: {  	[hbm4b:s6+s2] =	stream.linear.scatter [tilespmem:s8], [sflag:$0x2], $0x4400, $0x38;
	[tilespmem:$0x4800] =	vst v63  }
0x2f: {  	_ =	swait.ge [sflag:s9], $0x4400  }
0x30: {  	[sflag:s9] =	ssyncset.done $0x0  }
0x31: {  	[sflag:s9] =	ssyncadd.s32 $0xFFFFBC00  }
0x32: {  	_ =	sfence.sel $0x180000  }
0x33: {  	[bflag:$0x0] =	sbarrier.arrive $0xFFFF  }
0x34: {  	p0 =	sne.s32 s0, $0x0;
	_ =	strace $0x9000004A  }
0x35: {  	s0 =	sadd.s32 @!p0 $0x100000, s1;
	[bflag:$0x2] =	sbarrier.arrive $0xFFFF  }
0x36: {  	[sflag:s0] =	ssyncadd.tile.s32 @!p0 $0x1;
	_ =	shalt  }
.Lfunc_end2:
_tile_overlayer_lowered:
.L_overlay_start_2:
0x37: {  	(tag) =	ssettag $0x2  }
0x38: {  	s0 =	rddreg [dreg:$0x0];
	s2 =	stileid.u32  }
0x39: {  	s1 =	rddreg [dreg:$0x1];
	p0 =	sne.s32 s2, $0x0  }
0x3a: {  	s3 =	rddreg [dreg:$0x2];
	[bflag:$0x3] =	sbarrier.arrive $0xFFFF;
	s2 =	simm.s32 @!p0 $0x1C02  }
0x3b: {  	[timem:s3], [sflag:s2] =	dma.local @!p0 [hbm:s0], s1  }
0x3c: {  	s0 =	simm.s32 @!p0 $0x2  }
0x3d: {  	_ =	swait.ge @!p0 [sflag:s0], s1  }
0x3e: {  	s1 =	ssub.s32 @!p0 $0x0, s1;
	[sflag:s0] =	ssyncset.done @!p0 $0x0  }
0x3f: {  	[sflag:s0] =	ssyncadd.s32 @!p0 s1  }
0x40: {  	[bflag:$0x3] =	sbarrier.arrive $0xFFFF  }
0x41: {  	_ =	shalt  }

// kernel: _run.7.cloned.1.call-start
scs
__scs_entry_jumppad:
0x0: {  	(pc) =	sbr.rel $0x88, $3  }
0x1: {  	(tag) =	ssettag $0x0;
	lr =	simm.s32 $0x1  }
0x2: {  	[smem:$0x3F99] =	sst lr;
	_ =	strace $0xD0000000  }
0x3: {  	_ = 	snop  }
0x4: {  	_ = 	snop  }
0x5: {  	_ = 	snop  }
0x6: {  	_ = 	snop  }
0x7: {  	_ = 	snop  }
__scs_overlays_trampoline_lowered:
0x8: {  	[smem:$0x3FA8] =	sst s0  }
0x9: {  	[smem:$0x3FA9] =	sst s1  }
0xa: {  	[smem:$0x3FAA] =	sst s2  }
0xb: {  	[smem:$0x3FAB] =	sst s3  }
0xc: {  	[smem:$0x3FAC] =	sst s4  }
0xd: {  	[smem:$0x3FAD] =	sst s5  }
0xe: {  	[smem:$0x3FAE] =	sst s6  }
0xf: {  	[smem:$0x3FAF] =	sst s7  }
0x10: {  	[smem:$0x3FB0] =	sst s8  }
0x11: {  	[smem:$0x3FB1] =	sst s9;
	s0 =	simm.s32 @!p0 $0x0  }
0x12: {  	s1 =	sld [smem:$0x3F97];
	s0 =	simm.s32 @p0 $0x1  }
0x13: {  	[smem:$0x3FB2] =	sst s0;
	s0 =	simm.s32 @!p1 $0x0  }
0x14: {  	s2 =	sld [smem:$0x3F96];
	s0 =	simm.s32 @p1 $0x1  }
0x15: {  	[smem:$0x3FB3] =	sst s0;
	s0 =	simm.s32 @!p2 $0x0  }
0x16: {  	s3 =	sld [smem:$0x3FDB];
	s0 =	simm.s32 @p2 $0x1  }
0x17: {  	s4 =	simm.s32 $0x1BF5;
	[smem:$0x3FB5] =	sst s0  }
0x18: {  	s0 =	sld [smem:$0x3F98];
	_ =	swait.ge [sflag:s4], $0x0  }
0x19: {  	s7 =	sld [smem:$0x3F99]  }
0x1a: {  	s8 =	sadd.s32 $0xFFFFE003, lr  }
0x1b: {  	s9 =	sadd.s32 $0xFFFFFEF7, lr;
	s5 =	simm.s32 $0xFFFFFFFF;
	p2 =	slt.u32 s8, $0xFFFFF086  }
0x1c: {  	p1 =	slt.u32 s9, $0xF7A;
	s5 =	simm.s32 @!p2 $0x0  }
0x1d: {  	s5 =	simm.s32 @p1 $0x1;
	p0 =	seq.s32 s7, s2  }
0x1e: {  	s7 =	smul.u32 @!p0 $0xF7A, s2;
	p2 =	seq.s32 @!p0 s5, $0x0  }
0x1f: {  	s9 =	smul.u32 $0xF7A, s1;
	s8 =	simm.s32 @!p0 $0x1BF5;
	p2 =	por !p2, p0  }
0x20: {  	[sflag:s8] =	ssyncset.s32 @!p0 $0xFFFFF086;
	s6 =	sadd.s32 @!p0 s3, s7;
	s7 =	simm.s32 @!p0 $0x108  }
0x21: {  	s3 =	sadd.s32 s3, s9;
	s6 =	sadd.s32 @!p0 $0x88, s6;
	s7 =	simm.s32 @p2 $0x1082  }
0x22: {  	[simem:s7], [sflag:s8] =	dma.local @!p0 [hbm:s6], $0xF7A  }
0x23: {  	s9 =	sor.u32 $0xD0000000, s2;
	s6 =	simm.s32 $0x108;
	_ =	swait.ge @!p0 [sflag:s8], $0x0  }
0x24: {  	s3 =	sadd.s32 $0x88, s3;
	s6 =	simm.s32 @!p1 $0x1082;
	[sflag:s4] =	ssyncset.s32 $0xFFFFF086  }
0x25: {  	[simem:s6], [sflag:s4] =	dma.local [hbm:s3], $0xF7A  }
0x26: {  	[smem:$0x3F99] =	sst s1;
	(tag) =	ssettag s2;
	_ =	strace s9  }
0x27: {  	s1 =	sld [smem:$0x3FA9]  }
0x28: {  	s2 =	sld [smem:$0x3FAA]  }
0x29: {  	s4 =	sld [smem:$0x3FAC]  }
0x2a: {  	p0 =	seq.s32 s5, $0x0;
	s5 =	sld [smem:$0x3FAD]  }
0x2b: {  	s6 =	sld [smem:$0x3FAE]  }
0x2c: {  	s7 =	sld [smem:$0x3FAF]  }
0x2d: {  	s3 =	simm.s32 $0x108;
	s8 =	sld [smem:$0x3FB0]  }
0x2e: {  	s3 =	simm.s32 @!p0 $0x1082;
	s9 =	sld [smem:$0x3FB1]  }
0x2f: {  	lr =	sadd.s32 s0, s3;
	s0 =	sld [smem:$0x3FA8]  }
0x30: {  	s3 =	sld [smem:$0x3FAB]  }
0x31: {  	[smem:$0x3FB4] =	sst s10  }
0x32: {  	s10 =	sld [smem:$0x3FB2];
	_ =	sdelay $0x3  }
0x33: {  	p0 =	seq.s32 s10, $0x1;
	s10 =	sld [smem:$0x3FB4];
	_ =	sdelay $0x3  }
0x34: {  	[smem:$0x3FB4] =	sst s10  }
0x35: {  	s10 =	sld [smem:$0x3FB3];
	_ =	sdelay $0x3  }
0x36: {  	p1 =	seq.s32 s10, $0x1;
	s10 =	sld [smem:$0x3FB4];
	_ =	sdelay $0x3  }
0x37: {  	[smem:$0x3FB4] =	sst s10  }
0x38: {  	s10 =	sld [smem:$0x3FB5]  }
0x39: {  	_ = 	snop;
	(pc) =	sbr.ind lr, $3  }
0x3a: {  	_ = 	snop  }
0x3b: {  	_ = 	snop  }
0x3c: {  	p2 =	seq.s32 s10, $0x1;
	s10 =	sld [smem:$0x3FB4]  }
0x3d: {  	_ =	shalt  }
0x3e: {  	_ =	shalt  }
0x3f: {  	_ =	shalt  }
0x40: {  	_ =	shalt  }
0x41: {  	_ =	shalt  }
0x42: {  	_ =	shalt  }
0x43: {  	_ =	shalt  }
0x44: {  	_ =	shalt  }
0x45: {  	_ =	shalt  }
0x46: {  	_ =	shalt  }
0x47: {  	_ =	shalt  }
0x48: {  	_ =	shalt  }
0x49: {  	_ =	shalt  }
0x4a: {  	_ =	shalt  }
0x4b: {  	_ =	shalt  }
0x4c: {  	_ =	shalt  }
0x4d: {  	_ =	shalt  }
0x4e: {  	_ =	shalt  }
0x4f: {  	_ =	shalt  }
0x50: {  	_ =	shalt  }
0x51: {  	_ =	shalt  }
0x52: {  	_ =	shalt  }
0x53: {  	_ =	shalt  }
0x54: {  	_ =	shalt  }
0x55: {  	_ =	shalt  }
0x56: {  	_ =	shalt  }
0x57: {  	_ =	shalt  }
0x58: {  	_ =	shalt  }
0x59: {  	_ =	shalt  }
0x5a: {  	_ =	shalt  }
0x5b: {  	_ =	shalt  }
0x5c: {  	_ =	shalt  }
0x5d: {  	_ =	shalt  }
0x5e: {  	_ =	shalt  }
0x5f: {  	_ =	shalt  }
0x60: {  	_ =	shalt  }
0x61: {  	_ =	shalt  }
0x62: {  	_ =	shalt  }
0x63: {  	_ =	shalt  }
0x64: {  	_ =	shalt  }
0x65: {  	_ =	shalt  }
0x66: {  	_ =	shalt  }
0x67: {  	_ =	shalt  }
0x68: {  	_ =	shalt  }
0x69: {  	_ =	shalt  }
0x6a: {  	_ =	shalt  }
0x6b: {  	_ =	shalt  }
0x6c: {  	_ =	shalt  }
0x6d: {  	_ =	shalt  }
0x6e: {  	_ =	shalt  }
0x6f: {  	_ =	shalt  }
0x70: {  	_ =	shalt  }
0x71: {  	_ =	shalt  }
0x72: {  	_ =	shalt  }
0x73: {  	_ =	shalt  }
0x74: {  	_ =	shalt  }
0x75: {  	_ =	shalt  }
0x76: {  	_ =	shalt  }
0x77: {  	_ =	shalt  }
0x78: {  	_ =	shalt  }
0x79: {  	_ =	shalt  }
0x7a: {  	_ =	shalt  }
0x7b: {  	_ =	shalt  }
0x7c: {  	_ =	shalt  }
0x7d: {  	_ =	shalt  }
0x7e: {  	_ =	shalt  }
0x7f: {  	_ =	shalt  }
0x80: {  	_ =	shalt  }
0x81: {  	_ =	shalt  }
0x82: {  	_ =	shalt  }
0x83: {  	_ =	shalt  }
0x84: {  	_ =	shalt  }
0x85: {  	_ =	shalt  }
0x86: {  	_ =	shalt  }
0x87: {  	_ =	shalt  }
.Lfunc_end0:
.L_simem_size_0:
called_computation_lowered:
.L_overlay_start_0:
0x88: {  	s2 =	sld [smem:$0x3FD9]  }
0x89: {  	s3 =	sld [smem:$0x3FFE];
	_ =	sdelay $0x1  }
0x8a: {  	s1 =	srdreg.scid  }
0x8b: {  	s0 =	sand.u32 $0x1, s1  }
0x8c: {  	s17 =	sshll.u32 s0, $0xA;
	s2 =	sadd.s32 s3, s2  }
0x8d: {  	s2 =	sadd.s32 s2, s17  }
0x8e: {  	[smem:$0x3FC0] =	sst s2  }
0x8f: {  	_ = 	snop  }
0x90: {  	s2 =	sld [smem:$0x3FC9]  }
0x91: {  	s18 =	sld [smem:$0x3FC8]  }
0x92: {  	s4 =	sld [smem:$0x3FC7]  }
0x93: {  	s5 =	sld [smem:$0x3FC4]  }
0x94: {  	s6 =	sld [smem:$0x3FC3]  }
0x95: {  	s7 =	sld [smem:$0x3FC2]  }
0x96: {  	s8 =	sld [smem:$0x3FD0];
	(tm) =	ssettm $0x1  }
0x97: {  	s9 =	sld [smem:$0x3FFB];
	_ =	sdelay $0x3  }
0x98: {  	_ =	strace s9  }
0x99: {  	s9 =	sld [smem:$0x3FFC];
	_ =	sdelay $0x3  }
0x9a: {  	_ =	strace s9  }
0x9b: {  	s9 =	sld [smem:$0x3FFD];
	_ =	sdelay $0x3  }
0x9c: {  	_ =	strace s9  }
0x9d: {  	_ =	strace $0x8FFFFFFF  }
0x9e: {  	s19 =	sld [smem:$0x3FDB];
	_ =	sdelay $0x1  }
0x9f: {  	s10 =	simm.s32 $_scs_section_size  }
0xa0: {  	s11 =	simm.s32 $_size__tile_overlayer_lowered;
	s12 =	simm.s32 $_tile_overlayer_lowered  }
0xa1: {  	s22 =	simm.s32 $0x1BFF;
	s21 =	sshll.u32 s12, $0x1;
	s9 =	sadd.s32 s10, s19  }
0xa2: {  	s13 =	simm.s32 $0x0;
	s20 =	sshll.u32 s11, $0x1;
	s11 =	sadd.s32 s21, s9  }
0xa3: {  	[timem:s13], [sflag:s22] =	dma.local [hbm:s11], s20  }
0xa4: {  	_ =	swait.ge [sflag:s22], s20  }
0xa5: {  	s10 =	ssub.s32 $0x0, s20;
	[sflag:s22] =	ssyncset.done $0x0  }
0xa6: {  	[sflag:s22] =	ssyncadd.s32 s10;
	_ =	sdelay $0x1  }
0xa7: {  	s23 =	simm.s32 $0x1B8B  }
0xa8: {  	_ =	swait.ge [sflag:s23], $0x1  }
0xa9: {  	[sflag:s23] =	ssyncset.done $0x0  }
0xaa: {  	s25 =	simm.s32 $0x1B8E;
	s24 =	sld [smem:$0x3FFE];
	[sflag:s23] =	ssyncadd.s32 $0xFFFFFFFF  }
0xab: {  	s26 =	simm.s32 $execute0_lowered;
	[smem:$0x3FD2] =	sst s25  }
0xac: {  	s11 =	sshll.u32 s26, $0x1;
	_ =	strace $0x80000046;
	[dreg:$0x1] =	wrdreg $0xFFFFFFFF  }
0xad: {  	s28 =	simm.s32 $_size_execute0_lowered;
	s9 =	sadd.s32 s9, s11;
	[dreg:$0x0] =	wrdreg $0x0  }
0xae: {  	s11 =	sshll.u32 s28, $0x1;
	[dreg:$0x2] =	wrdreg s9  }
0xaf: {  	[dreg:$0x3] =	wrdreg s11  }
0xb0: {  	[dreg:$0x4] =	wrdreg $0xC0  }
0xb1: {  	_ =	task [dreg:s13], $0x5FFFF  }
0xb2: {  	[dreg:$0x1] =	wrdreg $0xFFFFFFFF  }
0xb3: {  	[dreg:$0x0] =	wrdreg $0x60  }
0xb4: {  	[dreg:$0x2] =	wrdreg s2  }
0xb5: {  	[dreg:$0x3] =	wrdreg s18  }
0xb6: {  	[dreg:$0x4] =	wrdreg s4  }
0xb7: {  	[dreg:$0x5] =	wrdreg s8  }
0xb8: {  	[dreg:$0x6] =	wrdreg s5  }
0xb9: {  	[dreg:$0x7] =	wrdreg s6  }
0xba: {  	[dreg:$0x8] =	wrdreg s7  }
0xbb: {  	[dreg:$0x9] =	wrdreg s24  }
0xbc: {  	[dreg:$0xa] =	wrdreg $0x82000  }
0xbd: {  	[dreg:$0xb] =	wrdreg $0x9  }
0xbe: {  	_ =	task.clear_ibuf [dreg:s13], $0xCFFFF;
	_ =	strace $0x90000046  }
0xbf: {  	s29 =	simm.s32 $0x9;
	_ =	strace $0x80000048  }
0xc0: {  	_ =	swait.ge [sflag:s29], $0x1  }
0xc1: {  	[sflag:s29] =	ssyncadd.s32 $0xFFFFFFFF  }
0xc2: {  	_ =	strace $0x90000048  }
0xc3: {  	_ =	sfence  }
0xc4: {  	s30 =	sld [smem:$0x0];
	_ =	sdelay $0x2  }
0xc5: {  	s31 =	sshll.u32 s1, $0xD;
	s1 =	sshrl.u32 s1, $0x2  }
0xc6: {  	s3 =	sand.u32 $0x4000, s31;
	s1 =	sadd.s32 s1, s30  }
0xc7: {  	s0 =	sor.u32 s3, s0;
	s1 =	sshll.u32 s1, $0x11  }
0xc8: {  	s0 =	sor.u32 s1, s0  }
0xc9: {  	s0 =	sadd.s32 $0x8F2B, s0  }
0xca: {  	[sflag:s0] =	ssyncadd.remote.s32 $0x1  }
0xcb: {  	_ =	sfence.sel $0xFFFF  }
0xcc: {  	[dreg:$0x0] =	wrdreg $0xFFFFFFFF;
	(pc) =	sbr.abs _section_cstart, $3  }
0xcd: {  	[dreg:$0x1] =	wrdreg $0xFFFFFFFF  }
0xce: {  	_ =	task.clear_ibuf [dreg:s13], $0x2FFFF;
	_ =	strace $0x9FFFFFFF  }
0xcf: {  	(tm) =	ssettm $0x7FFFFFFF  }
tec
execute0_lowered:
.L_overlay_start_1:
0x0: {  	(tag) =	ssettag $0x1  }
0x1: {  	s0 =	rddreg [dreg:$0x6]  }
0x2: {  	s1 =	srdreg.scid;
	s2 =	rddreg [dreg:$0x7]  }
0x3: {  	s8 =	rddreg [dreg:$0x8];
	s6 =	stileid.u32;
	s9 =	simm.s32 $0x0  }
0x4: {  	s15 =	simm.s32 $0x4;
	s16 =	simm.s32 $0x1000;
	s17 =	simm.s32 $0x200  }
0x5: {  	s19 =	simm.s32 $0x3600;
	s20 =	simm.s32 $0x3800;
	s21 =	simm.s32 $0x400  }
0x6: {  	s22 =	simm.s32 $0x800;
	s23 =	simm.s32 $0xC00;
	s24 =	simm.s32 $0x1200  }
0x7: {  	s25 =	simm.s32 $0x2000;
	s28 =	simm.s32 $0x4200;
	s29 =	simm.s32 $0x3A00  }
0x8: {  	s30 =	simm.s32 $0x3C00;
	s31 =	simm.s32 $0x1;
	s7 =	simm.s32 $0x3  }
0x9: {  	s1 =	sand.u32 $0x1, s1;
	[smem:$0x7FF] =	sst s9;
	s10 =	sshll.u32 s6, $0xA  }
0xa: {  	s26 =	sshll.u32 s6, $0x7;
	s3 =	sshll.u32 s1, $0x4;
	s1 =	ssub.s32 $0x2, s1  }
0xb: {  	_ =	strace $0x80000047;
	s11 =	sadd.s32 s0, s26;
	s3 =	sor.u32 s6, s3  }
0xc: {  	s26 =	simm.s32 $0x1400;
	s5 =	sshrl.u32 s1, $0x1;
	s4 =	smul.u32 $0x880, s3  }
0xd: {  	s6 =	simm.s32 $0x2;
	s1 =	ssub.s32 s1, s5;
	s3 =	sshll.u32 s3, $0x6  }
0xe: {  	s12 =	sadd.s32 s0, s3;
	s14 =	smax.u32 s1, $0x1;
	s2 =	sadd.s32 s4, s2  }
0xf: {  	v0 =	vlaneseq.u32;
	v1 =	vimm.f32 $0.0e+00;
	s0 =	simm.s32 $0x3E00;
	s1 =	simm.s32 $0x0;
	s13 =	sadd.s32 $0xE00, s2  }
.LBB2_1:
0x10: {  	[tilespmem:s9], [sflag:$0x4] =	stream.linear.gather [hbm4b:s11+s9], $0x400, $0x38;
	[tilespmem:$0x17668] =	vst v63  }
0x11: {  	_ =	swait.ge [sflag:s15], $0x400  }
0x12: {  	[sflag:s15] =	ssyncset.done $0x0  }
0x13: {  	[sflag:s15] =	ssyncadd.s32 $0xFFFFFC00  }
0x14: {  	[tilespmem:s16], [sflag:$0x4] =	stream.linear.gather [hbm4b:s12+s9], $0x200, $0x38;
	[tilespmem:$0x17668] =	vst v63  }
0x15: {  	_ =	swait.ge [sflag:s15], $0x200  }
0x16: {  	[sflag:s15] =	ssyncset.done $0x0  }
0x17: {  	[sflag:s15] =	ssyncadd.s32 $0xFFFFFE00  }
0x18: {  	s3 =	simm.s32 $0x3400;
	s2 =	rddreg [dreg:$0x0]  }
0x19: {  	[tilespmem:s3], [sflag:$0x1] =	stream.indirect.gather [hbm4b:s2+s17], $0x1, s16, s17, $0xb8;
	[tilespmem:$0x17668] =	vst v63  }
0x1a: {  	s4 =	simm.s32 $0x0;
	s5 =	rddreg [dreg:$0x1]  }
0x1b: {  	[tilespmem:s19], [sflag:$0x1] =	stream.indirect.gather [hbm4b:s5+s17], $0x1, s16, s17, $0xb8;
	[tilespmem:$0x17668] =	vst v63  }
0x1c: {  	s18 =	rddreg [dreg:$0x2];
	s2 =	simm.s32 $0x40;
	s3 =	smov.u32 s10  }
0x1d: {  	v2 =	vor.u32 s10, v0;
	[tilespmem:s20], [sflag:$0x1] =	stream.indirect.gather [hbm4b:s18+s17], $0x1, s16, s17, $0xb8;
	[tilespmem:$0x17668] =	vst v63  }
.LBB2_2:
0x1e: {  	p0 =	sne.s32 s2, $0xFC0  }
0x1f: {  	[tilespmem:s4+$0x400] =	vst v2;
	s3 =	sadd.s32 $0x10, s3;
	s4 =	smov.u32 s2;
	s2 =	sadd.s32 $0x40, s2  }
.Ltmp0:
0x20: {  	(pc) =	sbr.rel @p0 .LBB2_2-.Ltmp0, $2  }
0x21: {  	_ =	sdelay $0x2  }
0x22: {  	v2 =	vor.u32 s3, v0;
	s4 =	sshra.s32 s4, $0x2  }
0x23: {  	[tilespmem:s4+$0x400] =	vst v2;
	s2 =	simm.s32 $0x0  }
0x24: {  	[spmem:s8] =	stream.indirect.scatter [tilespmem:s21], [sflag:$0x4], $0x1, s2, s21, $0xb8;
	[tilespmem:$0x17668] =	vst v63  }
0x25: {  	_ =	swait.ge [sflag:s15], $0x400  }
0x26: {  	[sflag:s15] =	ssyncset.done $0x0  }
0x27: {  	[sflag:s15] =	ssyncadd.s32 $0xFFFFFC00  }
0x28: {  	[bflag:$0x0] =	sbarrier.arrive $0xFFFF  }
0x29: {  	[tilespmem:s22], [sflag:$0x4] =	stream.indirect.gather [spmem:s8], $0x1, s2, s21, $0xb8;
	[tilespmem:$0x17668] =	vst v63  }
0x2a: {  	_ =	swait.ge [sflag:s15], $0x400  }
0x2b: {  	[sflag:s15] =	ssyncset.done $0x0  }
0x2c: {  	s2 =	simm.s32 $0x0;
	[sflag:s15] =	ssyncadd.s32 $0xFFFFFC00  }
0x2d: {  	v2 =	vld [tilespmem:s2+$0x400]  }
0x2e: {  	v3 =	vld [tilespmem:s2+$0x800]  }
0x2f: {  	s3 =	simm.s32 $0x40;
	v4 =	vld [tilespmem:s2+$0x0]  }
.LBB2_4:
0x30: {  	p0 =	sne.s32 s3, $0xFC0  }
.Ltmp1:
0x31: {  	_ = 	snop;
	(pc) =	sbr.rel @p0 .LBB2_4-.Ltmp1, $4  }
0x32: {  	s4 =	sshra.s32 s3, $0x2;
	v5 =	vand.u32 $0x3FF, v2  }
0x33: {  	vm0 =	vgt.s32 v2, v3;
	v2 =	vld [tilespmem:s4+$0x400];
	v5 =	vadd.s32 $0xF4240, v5  }
0x34: {  	v3 =	vld [tilespmem:s4+$0x800];
	v5 =	vsel vm0, v4, v5  }
0x35: {  	s3 =	sadd.s32 $0x40, s3;
	v4 =	vld [tilespmem:s4+$0x0];
	[tilespmem:s2+$0xC00] =	vst v5;
	s2 =	smov.u32 s4  }
0x36: {  	_ =	sdelay $0x1  }
0x37: {  	v5 =	vand.u32 $0x3FF, v2  }
0x38: {  	v5 =	vadd.s32 $0xF4240, v5;
	vm0 =	vgt.s32 v2, v3  }
0x39: {  	v2 =	vsel vm0, v4, v5  }
0x3a: {  	[tilespmem:s2+$0xC00] =	vst v2  }
0x3b: {  	[bflag:$0x0] =	sbarrier.arrive $0xFFFF  }
0x3c: {  	[spmem:s8] =	stream.indirect.scatter [tilespmem:s21], [sflag:$0x4], $0x1, s23, s21, $0xb8;
	[tilespmem:$0x17668] =	vst v63  }
0x3d: {  	_ =	swait.ge [sflag:s15], $0x400  }
0x3e: {  	[sflag:s15] =	ssyncset.done $0x0  }
0x3f: {  	[sflag:s15] =	ssyncadd.s32 $0xFFFFFC00  }
0x40: {  	s18 =	simm.s32 $0x0;
	[bflag:$0x0] =	sbarrier.arrive $0xFFFF  }
0x41: {  	[tilespmem:s22], [sflag:$0x4] =	stream.indirect.gather [spmem:s8], $0x1, s18, s21, $0xb8;
	[tilespmem:$0x17668] =	vst v63  }
0x42: {  	_ =	swait.ge [sflag:s15], $0x400  }
0x43: {  	[sflag:s15] =	ssyncset.done $0x0  }
0x44: {  	s2 =	simm.s32 $0x0;
	[sflag:s15] =	ssyncadd.s32 $0xFFFFFC00  }
0x45: {  	v2 =	vld [tilespmem:s2+$0x400]  }
0x46: {  	v3 =	vld [tilespmem:s2+$0x800]  }
0x47: {  	s3 =	simm.s32 $0x40;
	v4 =	vld [tilespmem:s2+$0x0]  }
.LBB2_6:
0x48: {  	p0 =	sne.s32 s3, $0xFC0  }
.Ltmp2:
0x49: {  	_ = 	snop;
	(pc) =	sbr.rel @p0 .LBB2_6-.Ltmp2, $4  }
0x4a: {  	s4 =	sshra.s32 s3, $0x2;
	v5 =	vand.u32 $0x3FF, v2  }
0x4b: {  	vm0 =	vgt.s32 v2, v3;
	v2 =	vld [tilespmem:s4+$0x400];
	v5 =	vadd.s32 $0xF4240, v5  }
0x4c: {  	v3 =	vld [tilespmem:s4+$0x800];
	v5 =	vsel vm0, v4, v5  }
0x4d: {  	s3 =	sadd.s32 $0x40, s3;
	v4 =	vld [tilespmem:s4+$0x0];
	[tilespmem:s2+$0xC00] =	vst v5;
	s2 =	smov.u32 s4  }
0x4e: {  	_ =	sdelay $0x1  }
0x4f: {  	v5 =	vand.u32 $0x3FF, v2  }
0x50: {  	v5 =	vadd.s32 $0xF4240, v5;
	vm0 =	vgt.s32 v2, v3  }
0x51: {  	v2 =	vsel vm0, v4, v5  }
0x52: {  	[tilespmem:s2+$0xC00] =	vst v2  }
0x53: {  	[bflag:$0x0] =	sbarrier.arrive $0xFFFF  }
0x54: {  	[spmem:s8] =	stream.indirect.scatter [tilespmem:s21], [sflag:$0x4], $0x1, s23, s21, $0xb8;
	[tilespmem:$0x17668] =	vst v63  }
0x55: {  	_ =	swait.ge [sflag:s15], $0x400  }
0x56: {  	[sflag:s15] =	ssyncset.done $0x0  }
0x57: {  	[sflag:s15] =	ssyncadd.s32 $0xFFFFFC00  }
0x58: {  	s18 =	simm.s32 $0x0;
	[bflag:$0x0] =	sbarrier.arrive $0xFFFF  }
0x59: {  	[tilespmem:s22], [sflag:$0x4] =	stream.indirect.gather [spmem:s8], $0x1, s18, s21, $0xb8;
	[tilespmem:$0x17668] =	vst v63  }
0x5a: {  	_ =	swait.ge [sflag:s15], $0x400  }
0x5b: {  	[sflag:s15] =	ssyncset.done $0x0  }
0x5c: {  	s2 =	simm.s32 $0x0;
	[sflag:s15] =	ssyncadd.s32 $0xFFFFFC00  }
0x5d: {  	v2 =	vld [tilespmem:s2+$0x400]  }
0x5e: {  	v3 =	vld [tilespmem:s2+$0x800]  }
0x5f: {  	s3 =	simm.s32 $0x40;
	v4 =	vld [tilespmem:s2+$0x0]  }
.LBB2_8:
0x60: {  	p0 =	sne.s32 s3, $0xFC0  }
.Ltmp3:
0x61: {  	_ = 	snop;
	(pc) =	sbr.rel @p0 .LBB2_8-.Ltmp3, $4  }
0x62: {  	s4 =	sshra.s32 s3, $0x2;
	v5 =	vand.u32 $0x3FF, v2  }
0x63: {  	vm0 =	vgt.s32 v2, v3;
	v2 =	vld [tilespmem:s4+$0x400];
	v5 =	vadd.s32 $0xF4240, v5  }
0x64: {  	v3 =	vld [tilespmem:s4+$0x800];
	v5 =	vsel vm0, v4, v5  }
0x65: {  	s3 =	sadd.s32 $0x40, s3;
	v4 =	vld [tilespmem:s4+$0x0];
	[tilespmem:s2+$0xC00] =	vst v5;
	s2 =	smov.u32 s4  }
0x66: {  	_ =	sdelay $0x1  }
0x67: {  	v5 =	vand.u32 $0x3FF, v2  }
0x68: {  	v5 =	vadd.s32 $0xF4240, v5;
	vm0 =	vgt.s32 v2, v3  }
0x69: {  	v2 =	vsel vm0, v4, v5  }
0x6a: {  	[tilespmem:s2+$0xC00] =	vst v2  }
0x6b: {  	[bflag:$0x0] =	sbarrier.arrive $0xFFFF  }
0x6c: {  	[spmem:s8] =	stream.indirect.scatter [tilespmem:s21], [sflag:$0x4], $0x1, s23, s21, $0xb8;
	[tilespmem:$0x17668] =	vst v63  }
0x6d: {  	_ =	swait.ge [sflag:s15], $0x400  }
0x6e: {  	[sflag:s15] =	ssyncset.done $0x0  }
0x6f: {  	[sflag:s15] =	ssyncadd.s32 $0xFFFFFC00  }
0x70: {  	s18 =	simm.s32 $0x0;
	[bflag:$0x0] =	sbarrier.arrive $0xFFFF  }
0x71: {  	[tilespmem:s22], [sflag:$0x4] =	stream.indirect.gather [spmem:s8], $0x1, s18, s21, $0xb8;
	[tilespmem:$0x17668] =	vst v63  }
0x72: {  	_ =	swait.ge [sflag:s15], $0x400  }
0x73: {  	[sflag:s15] =	ssyncset.done $0x0  }
0x74: {  	s2 =	simm.s32 $0x0;
	[sflag:s15] =	ssyncadd.s32 $0xFFFFFC00  }
0x75: {  	v2 =	vld [tilespmem:s2+$0x400]  }
0x76: {  	v3 =	vld [tilespmem:s2+$0x800]  }
0x77: {  	s3 =	simm.s32 $0x40;
	v4 =	vld [tilespmem:s2+$0x0]  }
.LBB2_10:
0x78: {  	p0 =	sne.s32 s3, $0xFC0  }
.Ltmp4:
0x79: {  	_ = 	snop;
	(pc) =	sbr.rel @p0 .LBB2_10-.Ltmp4, $4  }
0x7a: {  	s4 =	sshra.s32 s3, $0x2;
	v5 =	vand.u32 $0x3FF, v2  }
0x7b: {  	vm0 =	vgt.s32 v2, v3;
	v2 =	vld [tilespmem:s4+$0x400];
	v5 =	vadd.s32 $0xF4240, v5  }
0x7c: {  	v3 =	vld [tilespmem:s4+$0x800];
	v5 =	vsel vm0, v4, v5  }
0x7d: {  	s3 =	sadd.s32 $0x40, s3;
	v4 =	vld [tilespmem:s4+$0x0];
	[tilespmem:s2+$0xC00] =	vst v5;
	s2 =	smov.u32 s4  }
0x7e: {  	_ =	sdelay $0x1  }
0x7f: {  	v5 =	vand.u32 $0x3FF, v2  }
0x80: {  	v5 =	vadd.s32 $0xF4240, v5;
	vm0 =	vgt.s32 v2, v3  }
0x81: {  	v2 =	vsel vm0, v4, v5  }
0x82: {  	[tilespmem:s2+$0xC00] =	vst v2  }
0x83: {  	[bflag:$0x0] =	sbarrier.arrive $0xFFFF  }
0x84: {  	[spmem:s8] =	stream.indirect.scatter [tilespmem:s21], [sflag:$0x4], $0x1, s23, s21, $0xb8;
	[tilespmem:$0x17668] =	vst v63  }
0x85: {  	_ =	swait.ge [sflag:s15], $0x400  }
0x86: {  	[sflag:s15] =	ssyncset.done $0x0  }
0x87: {  	[sflag:s15] =	ssyncadd.s32 $0xFFFFFC00  }
0x88: {  	s18 =	simm.s32 $0x0;
	[bflag:$0x0] =	sbarrier.arrive $0xFFFF  }
0x89: {  	[tilespmem:s22], [sflag:$0x4] =	stream.indirect.gather [spmem:s8], $0x1, s18, s21, $0xb8;
	[tilespmem:$0x17668] =	vst v63  }
0x8a: {  	_ =	swait.ge [sflag:s15], $0x400  }
0x8b: {  	[sflag:s15] =	ssyncset.done $0x0  }
0x8c: {  	s2 =	simm.s32 $0x0;
	[sflag:s15] =	ssyncadd.s32 $0xFFFFFC00  }
0x8d: {  	v2 =	vld [tilespmem:s2+$0x400]  }
0x8e: {  	v3 =	vld [tilespmem:s2+$0x800]  }
0x8f: {  	s3 =	simm.s32 $0x40;
	v4 =	vld [tilespmem:s2+$0x0]  }
.LBB2_12:
0x90: {  	p0 =	sne.s32 s3, $0xFC0  }
.Ltmp5:
0x91: {  	_ = 	snop;
	(pc) =	sbr.rel @p0 .LBB2_12-.Ltmp5, $4  }
0x92: {  	s4 =	sshra.s32 s3, $0x2;
	v5 =	vand.u32 $0x3FF, v2  }
0x93: {  	vm0 =	vgt.s32 v2, v3;
	v2 =	vld [tilespmem:s4+$0x400];
	v5 =	vadd.s32 $0xF4240, v5  }
0x94: {  	v3 =	vld [tilespmem:s4+$0x800];
	v5 =	vsel vm0, v4, v5  }
0x95: {  	s3 =	sadd.s32 $0x40, s3;
	v4 =	vld [tilespmem:s4+$0x0];
	[tilespmem:s2+$0xC00] =	vst v5;
	s2 =	smov.u32 s4  }
0x96: {  	_ =	sdelay $0x1  }
0x97: {  	v5 =	vand.u32 $0x3FF, v2  }
0x98: {  	v5 =	vadd.s32 $0xF4240, v5;
	vm0 =	vgt.s32 v2, v3  }
0x99: {  	v2 =	vsel vm0, v4, v5  }
0x9a: {  	[tilespmem:s2+$0xC00] =	vst v2  }
0x9b: {  	[bflag:$0x0] =	sbarrier.arrive $0xFFFF  }
0x9c: {  	[spmem:s8] =	stream.indirect.scatter [tilespmem:s21], [sflag:$0x4], $0x1, s23, s21, $0xb8;
	[tilespmem:$0x17668] =	vst v63  }
0x9d: {  	_ =	swait.ge [sflag:s15], $0x400  }
0x9e: {  	[sflag:s15] =	ssyncset.done $0x0  }
0x9f: {  	[sflag:s15] =	ssyncadd.s32 $0xFFFFFC00  }
0xa0: {  	[bflag:$0x0] =	sbarrier.arrive $0xFFFF  }
0xa1: {  	[tilespmem:s24], [sflag:$0x4] =	stream.indirect.gather [spmem:s8], $0x1, s16, s17, $0xb8;
	[tilespmem:$0x17668] =	vst v63  }
0xa2: {  	_ =	swait.ge [sflag:s15], $0x200  }
0xa3: {  	s3 =	simm.s32 $0x0;
	[sflag:s15] =	ssyncset.done $0x0  }
0xa4: {  	s4 =	simm.s32 $0x1;
	s2 =	sand.u32 $0x1F0, s3;
	[sflag:s15] =	ssyncadd.s32 $0xFFFFFE00  }
.LBB2_14:
0xa5: {  	p0 =	sne.s32 s4, $0x1FF;
	v2 =	vld [tilespmem:s2+$0x1200];
	_ =	sdelay $0x1  }
.Ltmp6:
0xa6: {  	(pc) =	sbr.rel @p0 .LBB2_14-.Ltmp6, $4  }
0xa7: {  	s5 =	sand.u32 $0xF, s3;
	s3 =	smov.u32 s4  }
0xa8: {  	s18 =	sshll.u32 s5, $0xE;
	s5 =	sshll.u32 s5, $0x9  }
0xa9: {  	s5 =	sor.u32 s2, s5;
	v2 =	vadd.s32 s18, v2  }
0xaa: {  	s4 =	sadd.s32 $0x1, s4;
	s2 =	sand.u32 $0x1F0, s3;
	[tilespmem:s5+$0x1400] =	vst v2  }
0xab: {  	v2 =	vld [tilespmem:s2+$0x1200];
	_ =	sdelay $0x2  }
0xac: {  	s3 =	sand.u32 $0xF, s3  }
0xad: {  	s4 =	sshll.u32 s3, $0xE;
	s3 =	sshll.u32 s3, $0x9  }
0xae: {  	s3 =	sor.u32 s2, s3;
	v2 =	vadd.s32 s4, v2  }
0xaf: {  	s4 =	rddreg [dreg:$0x3];
	[tilespmem:s3+$0x1400] =	vst v2  }
0xb0: {  	[tilespmem:s28], [sflag:$0x3] =	stream.indirect.gather [hbm4b:s4+s25], $0x1, s26, s25, $0xb8;
	[tilespmem:$0x17668] =	vst v63  }
0xb1: {  	s5 =	rddreg [dreg:$0x4]  }
0xb2: {  	[tilespmem:s29], [sflag:$0x2] =	stream.indirect.gather [hbm4b:s5+s17], $0x1, s24, s17, $0xb8;
	[tilespmem:$0x17668] =	vst v63  }
0xb3: {  	s18 =	rddreg [dreg:$0x5];
	s2 =	simm.s32 $0x40;
	s3 =	simm.s32 $0x0  }
0xb4: {  	[tilespmem:s30], [sflag:$0x2] =	stream.indirect.gather [hbm4b:s18+s17], $0x1, s24, s17, $0xb8;
	[tilespmem:$0x17668] =	vst v63  }
.LBB2_16:
0xb5: {  	p0 =	sne.s32 s2, $0x7FC0;
	[tilespmem:s3+$0x6200] =	vst v1;
	s3 =	smov.u32 s2;
	s2 =	sadd.s32 $0x40, s2  }
.Ltmp7:
0xb6: {  	(pc) =	sbr.rel @p0 .LBB2_16-.Ltmp7, $2  }
0xb7: {  	_ =	sdelay $0x2  }
0xb8: {  	s3 =	sshra.s32 s3, $0x2  }
0xb9: {  	[tilespmem:s3+$0x6200] =	vst v1  }
0xba: {  	_ =	swait.ge [sflag:s31], $0x200  }
0xbb: {  	[sflag:s31] =	ssyncset.done $0x0  }
0xbc: {  	[sflag:s31] =	ssyncadd.s32 $0xFFFFFE00  }
0xbd: {  	_ =	swait.ge [sflag:s31], $0x200  }
0xbe: {  	[sflag:s31] =	ssyncset.done $0x0  }
0xbf: {  	[sflag:s31] =	ssyncadd.s32 $0xFFFFFE00  }
0xc0: {  	_ =	swait.ge [sflag:s31], $0x200  }
0xc1: {  	[sflag:s31] =	ssyncset.done $0x0  }
0xc2: {  	[sflag:s31] =	ssyncadd.s32 $0xFFFFFE00  }
0xc3: {  	_ =	swait.ge [sflag:s6], $0x200  }
0xc4: {  	[sflag:s6] =	ssyncset.done $0x0  }
0xc5: {  	[sflag:s6] =	ssyncadd.s32 $0xFFFFFE00  }
0xc6: {  	_ =	swait.ge [sflag:s6], $0x200  }
0xc7: {  	[sflag:s6] =	ssyncset.done $0x0  }
0xc8: {  	s4 =	simm.s32 $0x0;
	[sflag:s6] =	ssyncadd.s32 $0xFFFFFE00  }
0xc9: {  	v6 =	vld [tilespmem:s4+$0x3800];
	_ =	sdelay $0x2  }
0xca: {  	v3 =	vld [tilespmem:s4+$0x3A00]  }
0xcb: {  	s2 =	simm.s32 $0x10;
	v4 =	vld [tilespmem:s4+$0x3400]  }
0xcc: {  	v2 =	vld [tilespmem:s2+$0x3800];
	v5 =	vadd.f32 $1.000000000e+00, v6  }
0xcd: {  	v8 =	vld [tilespmem:s4+$0x3600]  }
0xce: {  	v7 =	vld [tilespmem:s2+$0x3A00];
	(erf) = vrcp.f32 v5  }
0xcf: {  	v9 =	vld [tilespmem:s2+$0x3400];
	_ =	sdelay $0x1  }
0xd0: {  	v10 =	vld [tilespmem:s4+$0x3C00];
	v3 =	vmin.f32 v3, v4  }
0xd1: {  	s3 =	simm.s32 $0x20;
	v6 =	vmul.f32 v8, v6;
	v8 =	vadd.f32 $1.000000000e+00, v2;
	[tilespmem:s4+$0x3E00] =	vst v3  }
0xd2: {  	v3 =	vld [tilespmem:s3+$0x3800]  }
0xd3: {  	v9 =	vmin.f32 v7, v9;
	v4 =	vld [tilespmem:s3+$0x3A00];
	(erf) = vrcp.f32 v8  }
0xd4: {  	v5 =	vld [tilespmem:s2+$0x3600]  }
0xd5: {  	v7 =	vld [tilespmem:s3+$0x3400];
	v8 =	vadd.f32 v10, v6  }
0xd6: {  	s5 =	simm.s32 $0xC0;
	[tilespmem:s2+$0x3E00] =	vst v9;
	v6 =	vld [tilespmem:s2+$0x3C00];
	v9 =	vpop (erf)  }
.LBB2_18:
0xd7: {  	s18 =	sshra.s32 s5, $0x2;
	p0 =	sne.s32 s5, $0x7C0;
	s5 =	sadd.s32 $0x40, s5;
	v10 =	vadd.f32 $1.000000000e+00, v3;
	v8 =	vmul.f32 v8, v9;
	v9 =	vmov v3  }
.Ltmp8:
0xd8: {  	v3 =	vld [tilespmem:s18+$0x3800];
	v11 =	vmov v4;
	(pc) =	sbr.rel @p0 .LBB2_18-.Ltmp8, $4  }
0xd9: {  	v4 =	vld [tilespmem:s18+$0x3A00];
	(erf) = vrcp.f32 v10;
	v10 =	vmul.f32 v5, v2;
	[tilespmem:s4+$0x4000] =	vst v8;
	v2 =	vmov v9;
	s4 =	smov.u32 s2;
	s2 =	smov.u32 s3;
	s3 =	smov.u32 s18  }
0xda: {  	v8 =	vmin.f32 v11, v7;
	v5 =	vld [tilespmem:s2+$0x3600]  }
0xdb: {  	v7 =	vld [tilespmem:s3+$0x3400];
	[tilespmem:s2+$0x3E00] =	vst v8;
	v8 =	vadd.f32 v6, v10  }
0xdc: {  	v6 =	vld [tilespmem:s2+$0x3C00];
	v9 =	vpop (erf)  }
0xdd: {  	v10 =	vadd.f32 $1.000000000e+00, v3;
	v8 =	vmul.f32 v8, v9;
	_ =	sdelay $0x1  }
0xde: {  	(erf) = vrcp.f32 v10;
	[tilespmem:s4+$0x4000] =	vst v8  }
0xdf: {  	v60 =	vld [tilespmem:s3+$0x3600];
	_ =	sdelay $0x1  }
0xe0: {  	v61 =	vld [tilespmem:s3+$0x3C00];
	_ =	sdelay $0x1  }
0xe1: {  	v2 =	vmul.f32 v5, v2  }
0xe2: {  	v3 =	vmul.f32 v60, v3  }
0xe3: {  	v2 =	vadd.f32 v6, v2  }
0xe4: {  	v62 =	vpop (erf);
	v3 =	vadd.f32 v61, v3  }
0xe5: {  	v4 =	vmin.f32 v4, v7;
	v2 =	vmul.f32 v2, v62;
	v63 =	vpop (erf)  }
0xe6: {  	[tilespmem:s3+$0x3E00] =	vst v4;
	v3 =	vmul.f32 v3, v63  }
0xe7: {  	[tilespmem:s2+$0x4000] =	vst v2  }
0xe8: {  	[tilespmem:s3+$0x4000] =	vst v3  }
0xe9: {  	s1 =	sadd.s32 $0x1, s1;
	_ =	swait.ge [sflag:s7], $0x2000  }
0xea: {  	p0 =	sne.s32 s1, s14;
	[sflag:s7] =	ssyncset.done $0x0  }
.Ltmp9:
0xeb: {  	[sflag:s7] =	ssyncadd.s32 $0xFFFFE000;
	(pc) =	sbr.rel @p0 .LBB2_1-.Ltmp9, $4  }
0xec: {  	[hbm4b:s13+s9] =	stream.linear.scatter [tilespmem:s0], [sflag:$0x4], $0x4400, $0x38;
	[tilespmem:$0x17668] =	vst v63  }
0xed: {  	_ =	swait.ge [sflag:s15], $0x4400  }
0xee: {  	[sflag:s15] =	ssyncset.done $0x0  }
0xef: {  	[sflag:s15] =	ssyncadd.s32 $0xFFFFBC00  }
0xf0: {  	_ =	sfence.sel $0x180000  }
0xf1: {  	[bflag:$0x0] =	sbarrier.arrive $0xFFFF  }
0xf2: {  	_ =	strace $0x90000047  }
0xf3: {  	s0 =	stileid.u32;
	[bflag:$0x2] =	sbarrier.arrive $0xFFFF  }
0xf4: {  	p0 =	sne.s32 s0, $0x0;
	s0 =	rddreg [dreg:$0x9]  }
0xf5: {  	s0 =	sadd.s32 @!p0 $0x100000, s0  }
0xf6: {  	[sflag:s0] =	ssyncadd.tile.s32 @!p0 $0x1;
	_ =	shalt  }
.Lfunc_end2:
_tile_overlayer_lowered:
.L_overlay_start_2:
0xf7: {  	(tag) =	ssettag $0x2  }
0xf8: {  	s0 =	rddreg [dreg:$0x0];
	s2 =	stileid.u32  }
0xf9: {  	s1 =	rddreg [dreg:$0x1];
	p0 =	sne.s32 s2, $0x0  }
0xfa: {  	s3 =	rddreg [dreg:$0x2];
	[bflag:$0x3] =	sbarrier.arrive $0xFFFF;
	s2 =	simm.s32 @!p0 $0x1C04  }
0xfb: {  	[timem:s3], [sflag:s2] =	dma.local @!p0 [hbm:s0], s1  }
0xfc: {  	s0 =	simm.s32 @!p0 $0x4  }
0xfd: {  	_ =	swait.ge @!p0 [sflag:s0], s1  }
0xfe: {  	s1 =	ssub.s32 @!p0 $0x0, s1;
	[sflag:s0] =	ssyncset.done @!p0 $0x0  }
0xff: {  	[sflag:s0] =	ssyncadd.s32 @!p0 s1  }
0x100: {  	[bflag:$0x3] =	sbarrier.arrive $0xFFFF  }
0x101: {  	_ =	shalt  }

</sc_bundles>
